<compile_context>
chip_gen: v7x
topology: tpu7x:2x2x1
jax: 0.10.2.dev20260603
libtpu: 0.0.44.dev20260713+nightly
codegen_flags: <defaults>
</compile_context>

<pallas_src>
import functools

import jax
import jax.numpy as jnp
from jax import lax
from jax.experimental import pallas as pl
from jax.experimental.pallas import tpu as pltpu
from jax.experimental.pallas import tpu_sc as plsc

N_TOK = 16384
HIDDEN = 2048
E = 16
K = 2
BT = 1024

_SC_INFO = plsc.get_sparse_core_info()
NC = _SC_INFO.num_cores
NS = _SC_INFO.num_subcores
L = _SC_INFO.num_lanes
NW = NC * NS

NCHUNK = 2
TOK_C = N_TOK // NCHUNK
GRID_C = TOK_C // BT
CH = TOK_C // NW
SLABS_PER_STEP = BT // CH


def _gate_kernel(x_ref, w_ref, lg_ref, z_ref):
    i = pl.program_id(0)
    w = w_ref[...]
    logits = lax.dot_general(
        w, x_ref[...], (((1,), (1,)), ((), ())),
        preferred_element_type=jnp.float32,
    )

    part = jnp.sum(logits * logits)

    @pl.when(i == 0)
    def _():
        z_ref[0] = 0.0

    z_ref[0] += part

    for s in range(SLABS_PER_STEP):
        lg_ref[s] = logits[:, s * CH:(s + 1) * CH]


def _route_sc(lg_hbm, i1_hbm, i2_hbm, s1_hbm, s2_hbm,
              buf, oi1, oi2, os1, os2):
    wid = lax.axis_index("s") * NC + lax.axis_index("c")
    pltpu.sync_copy(lg_hbm.at[wid], buf)

    def body(g, carry):
        base = g * L
        neg = jnp.full((L,), -jnp.inf, jnp.float32)
        m1 = neg
        m2 = neg
        i1 = jnp.zeros((L,), jnp.int32)
        i2 = jnp.zeros((L,), jnp.int32)
        for e in range(E):
            v = buf[e, pl.ds(base, L)]
            gt1 = v > m1
            gt2 = v > m2
            m2 = jnp.where(gt1, m1, jnp.where(gt2, v, m2))
            i2 = jnp.where(gt1, i1, jnp.where(gt2, e, i2))
            m1 = jnp.where(gt1, v, m1)
            i1 = jnp.where(gt1, e, i1)
        den = jnp.zeros((L,), jnp.float32)
        for e in range(E):
            v = buf[e, pl.ds(base, L)]
            den = den + jnp.exp(v - m1)
        oi1[pl.ds(base, L)] = i1
        oi2[pl.ds(base, L)] = i2
        os1[pl.ds(base, L)] = 1.0 / den
        os2[pl.ds(base, L)] = jnp.exp(m2 - m1) / den
        return carry

    lax.fori_loop(0, CH // L, body, 0)

    pltpu.sync_copy(oi1, i1_hbm.at[wid])
    pltpu.sync_copy(oi2, i2_hbm.at[wid])
    pltpu.sync_copy(os1, s1_hbm.at[wid])
    pltpu.sync_copy(os2, s2_hbm.at[wid])


_route_call = functools.partial(
    pl.kernel,
    mesh=plsc.VectorSubcoreMesh(core_axis_name="c", subcore_axis_name="s"),
    out_type=[
        jax.ShapeDtypeStruct((NW, CH), jnp.int32),
        jax.ShapeDtypeStruct((NW, CH), jnp.int32),
        jax.ShapeDtypeStruct((NW, CH), jnp.float32),
        jax.ShapeDtypeStruct((NW, CH), jnp.float32),
    ],
    scratch_types=[
        pltpu.VMEM((E, CH), jnp.float32),
        pltpu.VMEM((CH,), jnp.int32),
        pltpu.VMEM((CH,), jnp.int32),
        pltpu.VMEM((CH,), jnp.float32),
        pltpu.VMEM((CH,), jnp.float32),
    ],
)(_route_sc)


def _gate_chunk(c, x, W):
    c0 = c * GRID_C
    return pl.pallas_call(
        _gate_kernel,
        grid=(GRID_C,),
        in_specs=[
            pl.BlockSpec((BT, HIDDEN), lambda i: (c0 + i, 0)),
            pl.BlockSpec((E, HIDDEN), lambda i: (0, 0)),
        ],
        out_specs=[
            pl.BlockSpec((SLABS_PER_STEP, E, CH), lambda i: (i, 0, 0)),
            pl.BlockSpec(memory_space=pltpu.SMEM),
        ],
        out_shape=[
            jax.ShapeDtypeStruct((NW, E, CH), jnp.float32),
            jax.ShapeDtypeStruct((1,), jnp.float32),
        ],
    )(x, W)


def kernel(x, W):
    i1s, i2s, s1s, s2s, zs = [], [], [], [], []
    for c in range(NCHUNK):
        lg, zsum = _gate_chunk(c, x, W)
        i1, i2, s1, s2 = _route_call(lg)
        i1s.append(i1.reshape(TOK_C))
        i2s.append(i2.reshape(TOK_C))
        s1s.append(s1.reshape(TOK_C))
        s2s.append(s2.reshape(TOK_C))
        zs.append(zsum[0])

    idx = jnp.stack([jnp.concatenate(i1s), jnp.concatenate(i2s)], axis=-1)
    scores = jnp.stack([jnp.concatenate(s1s), jnp.concatenate(s2s)], axis=-1)
    z_loss = sum(zs) / jnp.float32(N_TOK * E)
    aux_loss = jnp.zeros((), jnp.float32)
    return (idx, scores, aux_loss, z_loss)

# --- scband reference (transcript-rebuilt; emitter-appended) ---
"""Pipeline reference for scband-top-krouter-70188355551819 (READ-ONLY COPY).

The authoritative reference and input builder live on the scoring server;
editing this copy changes nothing except your own understanding.
"""

import jax, jax.numpy as jnp
import numpy as np

HIDDEN = 2048
NUM_EXPERTS = 16
K = 2
N_TOK = 16384

def setup_inputs(seed: int = 0) -> dict:
    key = jax.random.key(seed)
    kx, kw = jax.random.split(key)
    x = jax.random.normal(kx, (N_TOK, HIDDEN), dtype=jnp.float32)
    # torch nn.Linear weight: [num_experts, hidden_size]
    W = jax.random.normal(kw, (NUM_EXPERTS, HIDDEN), dtype=jnp.float32) * (1.0 / np.sqrt(HIDDEN))
    return {"x": x, "W": W}

def reference(x, W):
    # logits = gate(x) = x @ W.T  (no bias)
    logits = x @ W.T
    scores = jax.nn.softmax(logits, axis=-1)
    topk_scores, topk_idx = jax.lax.top_k(scores, K)
    aux_loss = scores.mean() * 0.0
    z_loss = jnp.mean(logits.astype(jnp.float32) ** 2)
    return (topk_idx, topk_scores, aux_loss, z_loss)

if __name__ == "__main__":
    import jax
    _d = setup_inputs()
    print(jax.jit(kernel)(*tuple(_d.values())))

</pallas_src>

<mosaic_0001>
#map = affine_map<(d0, d1) -> (0, 0, 0)>
#map1 = affine_map<(d0, d1) -> (0, 0)>
module attributes {stable_mosaic.version = 14 : i64} {
  func.func @_route_sc(%arg0: i32, %arg1: i32, %arg2: memref<32x16x256xf32, #tpu.memory_space<hbm>>, %arg3: memref<32x256xi32, #tpu.memory_space<hbm>>, %arg4: memref<32x256xi32, #tpu.memory_space<hbm>>, %arg5: memref<32x256xf32, #tpu.memory_space<hbm>>, %arg6: memref<32x256xf32, #tpu.memory_space<hbm>>, %arg7: memref<16x256xf32, #tpu.memory_space<vmem>>, %arg8: memref<256xi32, #tpu.memory_space<vmem>>, %arg9: memref<256xi32, #tpu.memory_space<vmem>>, %arg10: memref<256xf32, #tpu.memory_space<vmem>>, %arg11: memref<256xf32, #tpu.memory_space<vmem>>) attributes {dimension_semantics = [#tpu.dimension_semantics<core_parallel>, #tpu.dimension_semantics<subcore_parallel>], iteration_bounds = array<i64: 2, 16>, scalar_prefetch = 0 : i64, scratch_operands = 5 : i64, tpu.core_type = #tpu.core_type<sc_vector_subcore>, window_params = [{transform_indices = #map}, {transform_indices = #map1}, {transform_indices = #map1}, {transform_indices = #map1}, {transform_indices = #map1}]} {
    %mul3A = arith.constant 2 : i32
    %mul3A_0 = arith.muli %arg1, %mul3A : i32
    %add3A = arith.addi %mul3A_0, %arg0 : i32
    "tpu.region"() ({
      %run_scoped3A = tpu.sem_alloc : memref<!tpu.dma_semaphore, #tpu.memory_space<semaphore_mem>>
      %dma_start3A = arith.constant 0 : i32
      %dma_start3A_6 = arith.constant 0 : i32
      %dma_start3A_7 = tpu.memref_slice %arg2[%add3A, %dma_start3A, %dma_start3A_6] : memref<32x16x256xf32, #tpu.memory_space<hbm>> -> memref<1x16x256xf32, #tpu.memory_space<hbm>>
      %dma_start3A_8 = tpu.memref_squeeze %dma_start3A_7 : memref<1x16x256xf32, #tpu.memory_space<hbm>> -> memref<16x256xf32, #tpu.memory_space<hbm>>
      %dma_start3A_9 = arith.constant 0 : i32
      %dma_start3A_10 = arith.constant 0 : i32
      %dma_start3A_11 = tpu.memref_slice %arg2[%add3A, %dma_start3A_9, %dma_start3A_10] : memref<32x16x256xf32, #tpu.memory_space<hbm>> -> memref<1x16x256xf32, #tpu.memory_space<hbm>>
      %dma_start3A_12 = tpu.memref_squeeze %dma_start3A_11 : memref<1x16x256xf32, #tpu.memory_space<hbm>> -> memref<16x256xf32, #tpu.memory_space<hbm>>
      tpu.enqueue_dma source(%dma_start3A_12 : memref<16x256xf32, #tpu.memory_space<hbm>>) target(%arg7 : memref<16x256xf32, #tpu.memory_space<vmem>>) target_semaphore(%run_scoped3A : memref<!tpu.dma_semaphore, #tpu.memory_space<semaphore_mem>>)
      %dma_wait3A = arith.constant 0 : i32
      %dma_wait3A_13 = arith.constant 0 : i32
      %dma_wait3A_14 = tpu.memref_slice %arg2[%add3A, %dma_wait3A, %dma_wait3A_13] : memref<32x16x256xf32, #tpu.memory_space<hbm>> -> memref<1x16x256xf32, #tpu.memory_space<hbm>>
      %dma_wait3A_15 = tpu.memref_squeeze %dma_wait3A_14 : memref<1x16x256xf32, #tpu.memory_space<hbm>> -> memref<16x256xf32, #tpu.memory_space<hbm>>
      %dma_wait3A_16 = arith.constant 0 : i32
      %dma_wait3A_17 = arith.constant 0 : i32
      %dma_wait3A_18 = tpu.memref_slice %arg2[%add3A, %dma_wait3A_16, %dma_wait3A_17] : memref<32x16x256xf32, #tpu.memory_space<hbm>> -> memref<1x16x256xf32, #tpu.memory_space<hbm>>
      %dma_wait3A_19 = tpu.memref_squeeze %dma_wait3A_18 : memref<1x16x256xf32, #tpu.memory_space<hbm>> -> memref<16x256xf32, #tpu.memory_space<hbm>>
      tpu.wait_dma2 semaphore(%run_scoped3A : memref<!tpu.dma_semaphore, #tpu.memory_space<semaphore_mem>>) src(%dma_wait3A_19 : memref<16x256xf32, #tpu.memory_space<hbm>>) dst(%arg7 : memref<16x256xf32, #tpu.memory_space<vmem>>)
      tpu.yield
    }) : () -> ()
    %scan3A = arith.constant 0 : i32
    %scan3A_1 = arith.constant 0 : i32
    %scan3A_2 = arith.constant 16 : i32
    %scan3A_3 = arith.addi %scan3A_1, %scan3A_2 : i32
    %scan3A_4 = arith.constant 1 : i32
    scf.for %scan3A_6 = %scan3A_1 to %scan3A_3 step %scan3A_4  : i32 {
      %mul3A_7 = arith.constant 16 : i32
      %mul3A_8 = arith.muli %scan3A_6, %mul3A_7 : i32
      %broadcast_in_dim3A = arith.constant 0xFF800000 : f32
      %broadcast_in_dim3A_9 = vector.broadcast %broadcast_in_dim3A : f32 to vector<16xf32>
      %broadcast_in_dim3A_10 = arith.constant 0 : i32
      %broadcast_in_dim3A_11 = vector.broadcast %broadcast_in_dim3A_10 : i32 to vector<16xi32>
      %broadcast_in_dim3A_12 = arith.constant 0 : i32
      %broadcast_in_dim3A_13 = vector.broadcast %broadcast_in_dim3A_12 : i32 to vector<16xi32>
      %get3A = arith.constant 0 : i32
      %get3A_14 = arith.index_cast %get3A : i32 to index
      %get3A_15 = arith.index_cast %mul3A_8 : i32 to index
      %get3A_16 = tpu.vector_load %arg7[%get3A_14, %get3A_15] {strides = array<i32>} : memref<16x256xf32, #tpu.memory_space<vmem>>, vector<1x16xf32>,
      %get3A_17 = vector.shape_cast %get3A_16 : vector<1x16xf32> to vector<16xf32>
      %gt3A = arith.cmpf ogt, %get3A_17, %broadcast_in_dim3A_9 : vector<16xf32>
      %gt3A_18 = arith.cmpf ogt, %get3A_17, %broadcast_in_dim3A_9 : vector<16xf32>
      %select_n3A = arith.select %gt3A_18, %get3A_17, %broadcast_in_dim3A_9 : vector<16xi1>, vector<16xf32>
      %select_n3A_19 = arith.select %gt3A, %broadcast_in_dim3A_9, %select_n3A : vector<16xi1>, vector<16xf32>
      %jit3A = arith.constant 0 : i32
      %broadcast_in_dim3A_20 = vector.broadcast %jit3A : i32 to vector<16xi32>
      %select_n3A_21 = arith.select %gt3A_18, %broadcast_in_dim3A_20, %broadcast_in_dim3A_13 : vector<16xi1>, vector<16xi32>
      %select_n3A_22 = arith.select %gt3A, %broadcast_in_dim3A_11, %select_n3A_21 : vector<16xi1>, vector<16xi32>
      %select_n3A_23 = arith.select %gt3A, %get3A_17, %broadcast_in_dim3A_9 : vector<16xi1>, vector<16xf32>
      %jit3A_24 = arith.constant 0 : i32
      %broadcast_in_dim3A_25 = vector.broadcast %jit3A_24 : i32 to vector<16xi32>
      %select_n3A_26 = arith.select %gt3A, %broadcast_in_dim3A_25, %broadcast_in_dim3A_11 : vector<16xi1>, vector<16xi32>
      %get3A_27 = arith.constant 1 : i32
      %get3A_28 = arith.index_cast %get3A_27 : i32 to index
      %get3A_29 = arith.index_cast %mul3A_8 : i32 to index
      %get3A_30 = tpu.vector_load %arg7[%get3A_28, %get3A_29] {strides = array<i32>} : memref<16x256xf32, #tpu.memory_space<vmem>>, vector<1x16xf32>,
      %get3A_31 = vector.shape_cast %get3A_30 : vector<1x16xf32> to vector<16xf32>
      %gt3A_32 = arith.cmpf ogt, %get3A_31, %select_n3A_23 : vector<16xf32>
      %gt3A_33 = arith.cmpf ogt, %get3A_31, %select_n3A_19 : vector<16xf32>
      %select_n3A_34 = arith.select %gt3A_33, %get3A_31, %select_n3A_19 : vector<16xi1>, vector<16xf32>
      %select_n3A_35 = arith.select %gt3A_32, %select_n3A_23, %select_n3A_34 : vector<16xi1>, vector<16xf32>
      %jit3A_36 = arith.constant 1 : i32
      %broadcast_in_dim3A_37 = vector.broadcast %jit3A_36 : i32 to vector<16xi32>
      %select_n3A_38 = arith.select %gt3A_33, %broadcast_in_dim3A_37, %select_n3A_22 : vector<16xi1>, vector<16xi32>
      %select_n3A_39 = arith.select %gt3A_32, %select_n3A_26, %select_n3A_38 : vector<16xi1>, vector<16xi32>
      %select_n3A_40 = arith.select %gt3A_32, %get3A_31, %select_n3A_23 : vector<16xi1>, vector<16xf32>
      %jit3A_41 = arith.constant 1 : i32
      %broadcast_in_dim3A_42 = vector.broadcast %jit3A_41 : i32 to vector<16xi32>
      %select_n3A_43 = arith.select %gt3A_32, %broadcast_in_dim3A_42, %select_n3A_26 : vector<16xi1>, vector<16xi32>
      %get3A_44 = arith.constant 2 : i32
      %get3A_45 = arith.index_cast %get3A_44 : i32 to index
      %get3A_46 = arith.index_cast %mul3A_8 : i32 to index
      %get3A_47 = tpu.vector_load %arg7[%get3A_45, %get3A_46] {strides = array<i32>} : memref<16x256xf32, #tpu.memory_space<vmem>>, vector<1x16xf32>,
      %get3A_48 = vector.shape_cast %get3A_47 : vector<1x16xf32> to vector<16xf32>
      %gt3A_49 = arith.cmpf ogt, %get3A_48, %select_n3A_40 : vector<16xf32>
      %gt3A_50 = arith.cmpf ogt, %get3A_48, %select_n3A_35 : vector<16xf32>
      %select_n3A_51 = arith.select %gt3A_50, %get3A_48, %select_n3A_35 : vector<16xi1>, vector<16xf32>
      %select_n3A_52 = arith.select %gt3A_49, %select_n3A_40, %select_n3A_51 : vector<16xi1>, vector<16xf32>
      %jit3A_53 = arith.constant 2 : i32
      %broadcast_in_dim3A_54 = vector.broadcast %jit3A_53 : i32 to vector<16xi32>
      %select_n3A_55 = arith.select %gt3A_50, %broadcast_in_dim3A_54, %select_n3A_39 : vector<16xi1>, vector<16xi32>
      %select_n3A_56 = arith.select %gt3A_49, %select_n3A_43, %select_n3A_55 : vector<16xi1>, vector<16xi32>
      %select_n3A_57 = arith.select %gt3A_49, %get3A_48, %select_n3A_40 : vector<16xi1>, vector<16xf32>
      %jit3A_58 = arith.constant 2 : i32
      %broadcast_in_dim3A_59 = vector.broadcast %jit3A_58 : i32 to vector<16xi32>
      %select_n3A_60 = arith.select %gt3A_49, %broadcast_in_dim3A_59, %select_n3A_43 : vector<16xi1>, vector<16xi32>
      %get3A_61 = arith.constant 3 : i32
      %get3A_62 = arith.index_cast %get3A_61 : i32 to index
      %get3A_63 = arith.index_cast %mul3A_8 : i32 to index
      %get3A_64 = tpu.vector_load %arg7[%get3A_62, %get3A_63] {strides = array<i32>} : memref<16x256xf32, #tpu.memory_space<vmem>>, vector<1x16xf32>,
      %get3A_65 = vector.shape_cast %get3A_64 : vector<1x16xf32> to vector<16xf32>
      %gt3A_66 = arith.cmpf ogt, %get3A_65, %select_n3A_57 : vector<16xf32>
      %gt3A_67 = arith.cmpf ogt, %get3A_65, %select_n3A_52 : vector<16xf32>
      %select_n3A_68 = arith.select %gt3A_67, %get3A_65, %select_n3A_52 : vector<16xi1>, vector<16xf32>
      %select_n3A_69 = arith.select %gt3A_66, %select_n3A_57, %select_n3A_68 : vector<16xi1>, vector<16xf32>
      %jit3A_70 = arith.constant 3 : i32
      %broadcast_in_dim3A_71 = vector.broadcast %jit3A_70 : i32 to vector<16xi32>
      %select_n3A_72 = arith.select %gt3A_67, %broadcast_in_dim3A_71, %select_n3A_56 : vector<16xi1>, vector<16xi32>
      %select_n3A_73 = arith.select %gt3A_66, %select_n3A_60, %select_n3A_72 : vector<16xi1>, vector<16xi32>
      %select_n3A_74 = arith.select %gt3A_66, %get3A_65, %select_n3A_57 : vector<16xi1>, vector<16xf32>
      %jit3A_75 = arith.constant 3 : i32
      %broadcast_in_dim3A_76 = vector.broadcast %jit3A_75 : i32 to vector<16xi32>
      %select_n3A_77 = arith.select %gt3A_66, %broadcast_in_dim3A_76, %select_n3A_60 : vector<16xi1>, vector<16xi32>
      %get3A_78 = arith.constant 4 : i32
      %get3A_79 = arith.index_cast %get3A_78 : i32 to index
      %get3A_80 = arith.index_cast %mul3A_8 : i32 to index
      %get3A_81 = tpu.vector_load %arg7[%get3A_79, %get3A_80] {strides = array<i32>} : memref<16x256xf32, #tpu.memory_space<vmem>>, vector<1x16xf32>,
      %get3A_82 = vector.shape_cast %get3A_81 : vector<1x16xf32> to vector<16xf32>
      %gt3A_83 = arith.cmpf ogt, %get3A_82, %select_n3A_74 : vector<16xf32>
      %gt3A_84 = arith.cmpf ogt, %get3A_82, %select_n3A_69 : vector<16xf32>
      %select_n3A_85 = arith.select %gt3A_84, %get3A_82, %select_n3A_69 : vector<16xi1>, vector<16xf32>
      %select_n3A_86 = arith.select %gt3A_83, %select_n3A_74, %select_n3A_85 : vector<16xi1>, vector<16xf32>
      %jit3A_87 = arith.constant 4 : i32
      %broadcast_in_dim3A_88 = vector.broadcast %jit3A_87 : i32 to vector<16xi32>
      %select_n3A_89 = arith.select %gt3A_84, %broadcast_in_dim3A_88, %select_n3A_73 : vector<16xi1>, vector<16xi32>
      %select_n3A_90 = arith.select %gt3A_83, %select_n3A_77, %select_n3A_89 : vector<16xi1>, vector<16xi32>
      %select_n3A_91 = arith.select %gt3A_83, %get3A_82, %select_n3A_74 : vector<16xi1>, vector<16xf32>
      %jit3A_92 = arith.constant 4 : i32
      %broadcast_in_dim3A_93 = vector.broadcast %jit3A_92 : i32 to vector<16xi32>
      %select_n3A_94 = arith.select %gt3A_83, %broadcast_in_dim3A_93, %select_n3A_77 : vector<16xi1>, vector<16xi32>
      %get3A_95 = arith.constant 5 : i32
      %get3A_96 = arith.index_cast %get3A_95 : i32 to index
      %get3A_97 = arith.index_cast %mul3A_8 : i32 to index
      %get3A_98 = tpu.vector_load %arg7[%get3A_96, %get3A_97] {strides = array<i32>} : memref<16x256xf32, #tpu.memory_space<vmem>>, vector<1x16xf32>,
      %get3A_99 = vector.shape_cast %get3A_98 : vector<1x16xf32> to vector<16xf32>
      %gt3A_100 = arith.cmpf ogt, %get3A_99, %select_n3A_91 : vector<16xf32>
      %gt3A_101 = arith.cmpf ogt, %get3A_99, %select_n3A_86 : vector<16xf32>
      %select_n3A_102 = arith.select %gt3A_101, %get3A_99, %select_n3A_86 : vector<16xi1>, vector<16xf32>
      %select_n3A_103 = arith.select %gt3A_100, %select_n3A_91, %select_n3A_102 : vector<16xi1>, vector<16xf32>
      %jit3A_104 = arith.constant 5 : i32
      %broadcast_in_dim3A_105 = vector.broadcast %jit3A_104 : i32 to vector<16xi32>
      %select_n3A_106 = arith.select %gt3A_101, %broadcast_in_dim3A_105, %select_n3A_90 : vector<16xi1>, vector<16xi32>
      %select_n3A_107 = arith.select %gt3A_100, %select_n3A_94, %select_n3A_106 : vector<16xi1>, vector<16xi32>
      %select_n3A_108 = arith.select %gt3A_100, %get3A_99, %select_n3A_91 : vector<16xi1>, vector<16xf32>
      %jit3A_109 = arith.constant 5 : i32
      %broadcast_in_dim3A_110 = vector.broadcast %jit3A_109 : i32 to vector<16xi32>
      %select_n3A_111 = arith.select %gt3A_100, %broadcast_in_dim3A_110, %select_n3A_94 : vector<16xi1>, vector<16xi32>
      %get3A_112 = arith.constant 6 : i32
      %get3A_113 = arith.index_cast %get3A_112 : i32 to index
      %get3A_114 = arith.index_cast %mul3A_8 : i32 to index
      %get3A_115 = tpu.vector_load %arg7[%get3A_113, %get3A_114] {strides = array<i32>} : memref<16x256xf32, #tpu.memory_space<vmem>>, vector<1x16xf32>,
      %get3A_116 = vector.shape_cast %get3A_115 : vector<1x16xf32> to vector<16xf32>
      %gt3A_117 = arith.cmpf ogt, %get3A_116, %select_n3A_108 : vector<16xf32>
      %gt3A_118 = arith.cmpf ogt, %get3A_116, %select_n3A_103 : vector<16xf32>
      %select_n3A_119 = arith.select %gt3A_118, %get3A_116, %select_n3A_103 : vector<16xi1>, vector<16xf32>
      %select_n3A_120 = arith.select %gt3A_117, %select_n3A_108, %select_n3A_119 : vector<16xi1>, vector<16xf32>
      %jit3A_121 = arith.constant 6 : i32
      %broadcast_in_dim3A_122 = vector.broadcast %jit3A_121 : i32 to vector<16xi32>
      %select_n3A_123 = arith.select %gt3A_118, %broadcast_in_dim3A_122, %select_n3A_107 : vector<16xi1>, vector<16xi32>
      %select_n3A_124 = arith.select %gt3A_117, %select_n3A_111, %select_n3A_123 : vector<16xi1>, vector<16xi32>
      %select_n3A_125 = arith.select %gt3A_117, %get3A_116, %select_n3A_108 : vector<16xi1>, vector<16xf32>
      %jit3A_126 = arith.constant 6 : i32
      %broadcast_in_dim3A_127 = vector.broadcast %jit3A_126 : i32 to vector<16xi32>
      %select_n3A_128 = arith.select %gt3A_117, %broadcast_in_dim3A_127, %select_n3A_111 : vector<16xi1>, vector<16xi32>
      %get3A_129 = arith.constant 7 : i32
      %get3A_130 = arith.index_cast %get3A_129 : i32 to index
      %get3A_131 = arith.index_cast %mul3A_8 : i32 to index
      %get3A_132 = tpu.vector_load %arg7[%get3A_130, %get3A_131] {strides = array<i32>} : memref<16x256xf32, #tpu.memory_space<vmem>>, vector<1x16xf32>,
      %get3A_133 = vector.shape_cast %get3A_132 : vector<1x16xf32> to vector<16xf32>
      %gt3A_134 = arith.cmpf ogt, %get3A_133, %select_n3A_125 : vector<16xf32>
      %gt3A_135 = arith.cmpf ogt, %get3A_133, %select_n3A_120 : vector<16xf32>
      %select_n3A_136 = arith.select %gt3A_135, %get3A_133, %select_n3A_120 : vector<16xi1>, vector<16xf32>
      %select_n3A_137 = arith.select %gt3A_134, %select_n3A_125, %select_n3A_136 : vector<16xi1>, vector<16xf32>
      %jit3A_138 = arith.constant 7 : i32
      %broadcast_in_dim3A_139 = vector.broadcast %jit3A_138 : i32 to vector<16xi32>
      %select_n3A_140 = arith.select %gt3A_135, %broadcast_in_dim3A_139, %select_n3A_124 : vector<16xi1>, vector<16xi32>
      %select_n3A_141 = arith.select %gt3A_134, %select_n3A_128, %select_n3A_140 : vector<16xi1>, vector<16xi32>
      %select_n3A_142 = arith.select %gt3A_134, %get3A_133, %select_n3A_125 : vector<16xi1>, vector<16xf32>
      %jit3A_143 = arith.constant 7 : i32
      %broadcast_in_dim3A_144 = vector.broadcast %jit3A_143 : i32 to vector<16xi32>
      %select_n3A_145 = arith.select %gt3A_134, %broadcast_in_dim3A_144, %select_n3A_128 : vector<16xi1>, vector<16xi32>
      %get3A_146 = arith.constant 8 : i32
      %get3A_147 = arith.index_cast %get3A_146 : i32 to index
      %get3A_148 = arith.index_cast %mul3A_8 : i32 to index
      %get3A_149 = tpu.vector_load %arg7[%get3A_147, %get3A_148] {strides = array<i32>} : memref<16x256xf32, #tpu.memory_space<vmem>>, vector<1x16xf32>,
      %get3A_150 = vector.shape_cast %get3A_149 : vector<1x16xf32> to vector<16xf32>
      %gt3A_151 = arith.cmpf ogt, %get3A_150, %select_n3A_142 : vector<16xf32>
      %gt3A_152 = arith.cmpf ogt, %get3A_150, %select_n3A_137 : vector<16xf32>
      %select_n3A_153 = arith.select %gt3A_152, %get3A_150, %select_n3A_137 : vector<16xi1>, vector<16xf32>
      %select_n3A_154 = arith.select %gt3A_151, %select_n3A_142, %select_n3A_153 : vector<16xi1>, vector<16xf32>
      %jit3A_155 = arith.constant 8 : i32
      %broadcast_in_dim3A_156 = vector.broadcast %jit3A_155 : i32 to vector<16xi32>
      %select_n3A_157 = arith.select %gt3A_152, %broadcast_in_dim3A_156, %select_n3A_141 : vector<16xi1>, vector<16xi32>
      %select_n3A_158 = arith.select %gt3A_151, %select_n3A_145, %select_n3A_157 : vector<16xi1>, vector<16xi32>
      %select_n3A_159 = arith.select %gt3A_151, %get3A_150, %select_n3A_142 : vector<16xi1>, vector<16xf32>
      %jit3A_160 = arith.constant 8 : i32
      %broadcast_in_dim3A_161 = vector.broadcast %jit3A_160 : i32 to vector<16xi32>
      %select_n3A_162 = arith.select %gt3A_151, %broadcast_in_dim3A_161, %select_n3A_145 : vector<16xi1>, vector<16xi32>
      %get3A_163 = arith.constant 9 : i32
      %get3A_164 = arith.index_cast %get3A_163 : i32 to index
      %get3A_165 = arith.index_cast %mul3A_8 : i32 to index
      %get3A_166 = tpu.vector_load %arg7[%get3A_164, %get3A_165] {strides = array<i32>} : memref<16x256xf32, #tpu.memory_space<vmem>>, vector<1x16xf32>,
      %get3A_167 = vector.shape_cast %get3A_166 : vector<1x16xf32> to vector<16xf32>
      %gt3A_168 = arith.cmpf ogt, %get3A_167, %select_n3A_159 : vector<16xf32>
      %gt3A_169 = arith.cmpf ogt, %get3A_167, %select_n3A_154 : vector<16xf32>
      %select_n3A_170 = arith.select %gt3A_169, %get3A_167, %select_n3A_154 : vector<16xi1>, vector<16xf32>
      %select_n3A_171 = arith.select %gt3A_168, %select_n3A_159, %select_n3A_170 : vector<16xi1>, vector<16xf32>
      %jit3A_172 = arith.constant 9 : i32
      %broadcast_in_dim3A_173 = vector.broadcast %jit3A_172 : i32 to vector<16xi32>
      %select_n3A_174 = arith.select %gt3A_169, %broadcast_in_dim3A_173, %select_n3A_158 : vector<16xi1>, vector<16xi32>
      %select_n3A_175 = arith.select %gt3A_168, %select_n3A_162, %select_n3A_174 : vector<16xi1>, vector<16xi32>
      %select_n3A_176 = arith.select %gt3A_168, %get3A_167, %select_n3A_159 : vector<16xi1>, vector<16xf32>
      %jit3A_177 = arith.constant 9 : i32
      %broadcast_in_dim3A_178 = vector.broadcast %jit3A_177 : i32 to vector<16xi32>
      %select_n3A_179 = arith.select %gt3A_168, %broadcast_in_dim3A_178, %select_n3A_162 : vector<16xi1>, vector<16xi32>
      %get3A_180 = arith.constant 10 : i32
      %get3A_181 = arith.index_cast %get3A_180 : i32 to index
      %get3A_182 = arith.index_cast %mul3A_8 : i32 to index
      %get3A_183 = tpu.vector_load %arg7[%get3A_181, %get3A_182] {strides = array<i32>} : memref<16x256xf32, #tpu.memory_space<vmem>>, vector<1x16xf32>,
      %get3A_184 = vector.shape_cast %get3A_183 : vector<1x16xf32> to vector<16xf32>
      %gt3A_185 = arith.cmpf ogt, %get3A_184, %select_n3A_176 : vector<16xf32>
      %gt3A_186 = arith.cmpf ogt, %get3A_184, %select_n3A_171 : vector<16xf32>
      %select_n3A_187 = arith.select %gt3A_186, %get3A_184, %select_n3A_171 : vector<16xi1>, vector<16xf32>
      %select_n3A_188 = arith.select %gt3A_185, %select_n3A_176, %select_n3A_187 : vector<16xi1>, vector<16xf32>
      %jit3A_189 = arith.constant 10 : i32
      %broadcast_in_dim3A_190 = vector.broadcast %jit3A_189 : i32 to vector<16xi32>
      %select_n3A_191 = arith.select %gt3A_186, %broadcast_in_dim3A_190, %select_n3A_175 : vector<16xi1>, vector<16xi32>
      %select_n3A_192 = arith.select %gt3A_185, %select_n3A_179, %select_n3A_191 : vector<16xi1>, vector<16xi32>
      %select_n3A_193 = arith.select %gt3A_185, %get3A_184, %select_n3A_176 : vector<16xi1>, vector<16xf32>
      %jit3A_194 = arith.constant 10 : i32
      %broadcast_in_dim3A_195 = vector.broadcast %jit3A_194 : i32 to vector<16xi32>
      %select_n3A_196 = arith.select %gt3A_185, %broadcast_in_dim3A_195, %select_n3A_179 : vector<16xi1>, vector<16xi32>
      %get3A_197 = arith.constant 11 : i32
      %get3A_198 = arith.index_cast %get3A_197 : i32 to index
      %get3A_199 = arith.index_cast %mul3A_8 : i32 to index
      %get3A_200 = tpu.vector_load %arg7[%get3A_198, %get3A_199] {strides = array<i32>} : memref<16x256xf32, #tpu.memory_space<vmem>>, vector<1x16xf32>,
      %get3A_201 = vector.shape_cast %get3A_200 : vector<1x16xf32> to vector<16xf32>
      %gt3A_202 = arith.cmpf ogt, %get3A_201, %select_n3A_193 : vector<16xf32>
      %gt3A_203 = arith.cmpf ogt, %get3A_201, %select_n3A_188 : vector<16xf32>
      %select_n3A_204 = arith.select %gt3A_203, %get3A_201, %select_n3A_188 : vector<16xi1>, vector<16xf32>
      %select_n3A_205 = arith.select %gt3A_202, %select_n3A_193, %select_n3A_204 : vector<16xi1>, vector<16xf32>
      %jit3A_206 = arith.constant 11 : i32
      %broadcast_in_dim3A_207 = vector.broadcast %jit3A_206 : i32 to vector<16xi32>
      %select_n3A_208 = arith.select %gt3A_203, %broadcast_in_dim3A_207, %select_n3A_192 : vector<16xi1>, vector<16xi32>
      %select_n3A_209 = arith.select %gt3A_202, %select_n3A_196, %select_n3A_208 : vector<16xi1>, vector<16xi32>
      %select_n3A_210 = arith.select %gt3A_202, %get3A_201, %select_n3A_193 : vector<16xi1>, vector<16xf32>
      %jit3A_211 = arith.constant 11 : i32
      %broadcast_in_dim3A_212 = vector.broadcast %jit3A_211 : i32 to vector<16xi32>
      %select_n3A_213 = arith.select %gt3A_202, %broadcast_in_dim3A_212, %select_n3A_196 : vector<16xi1>, vector<16xi32>
      %get3A_214 = arith.constant 12 : i32
      %get3A_215 = arith.index_cast %get3A_214 : i32 to index
      %get3A_216 = arith.index_cast %mul3A_8 : i32 to index
      %get3A_217 = tpu.vector_load %arg7[%get3A_215, %get3A_216] {strides = array<i32>} : memref<16x256xf32, #tpu.memory_space<vmem>>, vector<1x16xf32>,
      %get3A_218 = vector.shape_cast %get3A_217 : vector<1x16xf32> to vector<16xf32>
      %gt3A_219 = arith.cmpf ogt, %get3A_218, %select_n3A_210 : vector<16xf32>
      %gt3A_220 = arith.cmpf ogt, %get3A_218, %select_n3A_205 : vector<16xf32>
      %select_n3A_221 = arith.select %gt3A_220, %get3A_218, %select_n3A_205 : vector<16xi1>, vector<16xf32>
      %select_n3A_222 = arith.select %gt3A_219, %select_n3A_210, %select_n3A_221 : vector<16xi1>, vector<16xf32>
      %jit3A_223 = arith.constant 12 : i32
      %broadcast_in_dim3A_224 = vector.broadcast %jit3A_223 : i32 to vector<16xi32>
      %select_n3A_225 = arith.select %gt3A_220, %broadcast_in_dim3A_224, %select_n3A_209 : vector<16xi1>, vector<16xi32>
      %select_n3A_226 = arith.select %gt3A_219, %select_n3A_213, %select_n3A_225 : vector<16xi1>, vector<16xi32>
      %select_n3A_227 = arith.select %gt3A_219, %get3A_218, %select_n3A_210 : vector<16xi1>, vector<16xf32>
      %jit3A_228 = arith.constant 12 : i32
      %broadcast_in_dim3A_229 = vector.broadcast %jit3A_228 : i32 to vector<16xi32>
      %select_n3A_230 = arith.select %gt3A_219, %broadcast_in_dim3A_229, %select_n3A_213 : vector<16xi1>, vector<16xi32>
      %get3A_231 = arith.constant 13 : i32
      %get3A_232 = arith.index_cast %get3A_231 : i32 to index
      %get3A_233 = arith.index_cast %mul3A_8 : i32 to index
      %get3A_234 = tpu.vector_load %arg7[%get3A_232, %get3A_233] {strides = array<i32>} : memref<16x256xf32, #tpu.memory_space<vmem>>, vector<1x16xf32>,
      %get3A_235 = vector.shape_cast %get3A_234 : vector<1x16xf32> to vector<16xf32>
      %gt3A_236 = arith.cmpf ogt, %get3A_235, %select_n3A_227 : vector<16xf32>
      %gt3A_237 = arith.cmpf ogt, %get3A_235, %select_n3A_222 : vector<16xf32>
      %select_n3A_238 = arith.select %gt3A_237, %get3A_235, %select_n3A_222 : vector<16xi1>, vector<16xf32>
      %select_n3A_239 = arith.select %gt3A_236, %select_n3A_227, %select_n3A_238 : vector<16xi1>, vector<16xf32>
      %jit3A_240 = arith.constant 13 : i32
      %broadcast_in_dim3A_241 = vector.broadcast %jit3A_240 : i32 to vector<16xi32>
      %select_n3A_242 = arith.select %gt3A_237, %broadcast_in_dim3A_241, %select_n3A_226 : vector<16xi1>, vector<16xi32>
      %select_n3A_243 = arith.select %gt3A_236, %select_n3A_230, %select_n3A_242 : vector<16xi1>, vector<16xi32>
      %select_n3A_244 = arith.select %gt3A_236, %get3A_235, %select_n3A_227 : vector<16xi1>, vector<16xf32>
      %jit3A_245 = arith.constant 13 : i32
      %broadcast_in_dim3A_246 = vector.broadcast %jit3A_245 : i32 to vector<16xi32>
      %select_n3A_247 = arith.select %gt3A_236, %broadcast_in_dim3A_246, %select_n3A_230 : vector<16xi1>, vector<16xi32>
      %get3A_248 = arith.constant 14 : i32
      %get3A_249 = arith.index_cast %get3A_248 : i32 to index
      %get3A_250 = arith.index_cast %mul3A_8 : i32 to index
      %get3A_251 = tpu.vector_load %arg7[%get3A_249, %get3A_250] {strides = array<i32>} : memref<16x256xf32, #tpu.memory_space<vmem>>, vector<1x16xf32>,
      %get3A_252 = vector.shape_cast %get3A_251 : vector<1x16xf32> to vector<16xf32>
      %gt3A_253 = arith.cmpf ogt, %get3A_252, %select_n3A_244 : vector<16xf32>
      %gt3A_254 = arith.cmpf ogt, %get3A_252, %select_n3A_239 : vector<16xf32>
      %select_n3A_255 = arith.select %gt3A_254, %get3A_252, %select_n3A_239 : vector<16xi1>, vector<16xf32>
      %select_n3A_256 = arith.select %gt3A_253, %select_n3A_244, %select_n3A_255 : vector<16xi1>, vector<16xf32>
      %jit3A_257 = arith.constant 14 : i32
      %broadcast_in_dim3A_258 = vector.broadcast %jit3A_257 : i32 to vector<16xi32>
      %select_n3A_259 = arith.select %gt3A_254, %broadcast_in_dim3A_258, %select_n3A_243 : vector<16xi1>, vector<16xi32>
      %select_n3A_260 = arith.select %gt3A_253, %select_n3A_247, %select_n3A_259 : vector<16xi1>, vector<16xi32>
      %select_n3A_261 = arith.select %gt3A_253, %get3A_252, %select_n3A_244 : vector<16xi1>, vector<16xf32>
      %jit3A_262 = arith.constant 14 : i32
      %broadcast_in_dim3A_263 = vector.broadcast %jit3A_262 : i32 to vector<16xi32>
      %select_n3A_264 = arith.select %gt3A_253, %broadcast_in_dim3A_263, %select_n3A_247 : vector<16xi1>, vector<16xi32>
      %get3A_265 = arith.constant 15 : i32
      %get3A_266 = arith.index_cast %get3A_265 : i32 to index
      %get3A_267 = arith.index_cast %mul3A_8 : i32 to index
      %get3A_268 = tpu.vector_load %arg7[%get3A_266, %get3A_267] {strides = array<i32>} : memref<16x256xf32, #tpu.memory_space<vmem>>, vector<1x16xf32>,
      %get3A_269 = vector.shape_cast %get3A_268 : vector<1x16xf32> to vector<16xf32>
      %gt3A_270 = arith.cmpf ogt, %get3A_269, %select_n3A_261 : vector<16xf32>
      %gt3A_271 = arith.cmpf ogt, %get3A_269, %select_n3A_256 : vector<16xf32>
      %select_n3A_272 = arith.select %gt3A_271, %get3A_269, %select_n3A_256 : vector<16xi1>, vector<16xf32>
      %select_n3A_273 = arith.select %gt3A_270, %select_n3A_261, %select_n3A_272 : vector<16xi1>, vector<16xf32>
      %jit3A_274 = arith.constant 15 : i32
      %broadcast_in_dim3A_275 = vector.broadcast %jit3A_274 : i32 to vector<16xi32>
      %select_n3A_276 = arith.select %gt3A_271, %broadcast_in_dim3A_275, %select_n3A_260 : vector<16xi1>, vector<16xi32>
      %select_n3A_277 = arith.select %gt3A_270, %select_n3A_264, %select_n3A_276 : vector<16xi1>, vector<16xi32>
      %select_n3A_278 = arith.select %gt3A_270, %get3A_269, %select_n3A_261 : vector<16xi1>, vector<16xf32>
      %jit3A_279 = arith.constant 15 : i32
      %broadcast_in_dim3A_280 = vector.broadcast %jit3A_279 : i32 to vector<16xi32>
      %select_n3A_281 = arith.select %gt3A_270, %broadcast_in_dim3A_280, %select_n3A_264 : vector<16xi1>, vector<16xi32>
      %broadcast_in_dim3A_282 = arith.constant 0.000000e+00 : f32
      %broadcast_in_dim3A_283 = vector.broadcast %broadcast_in_dim3A_282 : f32 to vector<16xf32>
      %get3A_284 = arith.constant 0 : i32
      %get3A_285 = arith.index_cast %get3A_284 : i32 to index
      %get3A_286 = arith.index_cast %mul3A_8 : i32 to index
      %get3A_287 = tpu.vector_load %arg7[%get3A_285, %get3A_286] {strides = array<i32>} : memref<16x256xf32, #tpu.memory_space<vmem>>, vector<1x16xf32>,
      %get3A_288 = vector.shape_cast %get3A_287 : vector<1x16xf32> to vector<16xf32>
      %sub3A = arith.subf %get3A_288, %select_n3A_278 : vector<16xf32>
      %exp3A = math.exp %sub3A : vector<16xf32>
      %add3A_289 = arith.addf %broadcast_in_dim3A_283, %exp3A : vector<16xf32>
      %get3A_290 = arith.constant 1 : i32
      %get3A_291 = arith.index_cast %get3A_290 : i32 to index
      %get3A_292 = arith.index_cast %mul3A_8 : i32 to index
      %get3A_293 = tpu.vector_load %arg7[%get3A_291, %get3A_292] {strides = array<i32>} : memref<16x256xf32, #tpu.memory_space<vmem>>, vector<1x16xf32>,
      %get3A_294 = vector.shape_cast %get3A_293 : vector<1x16xf32> to vector<16xf32>
      %sub3A_295 = arith.subf %get3A_294, %select_n3A_278 : vector<16xf32>
      %exp3A_296 = math.exp %sub3A_295 : vector<16xf32>
      %add3A_297 = arith.addf %add3A_289, %exp3A_296 : vector<16xf32>
      %get3A_298 = arith.constant 2 : i32
      %get3A_299 = arith.index_cast %get3A_298 : i32 to index
      %get3A_300 = arith.index_cast %mul3A_8 : i32 to index
      %get3A_301 = tpu.vector_load %arg7[%get3A_299, %get3A_300] {strides = array<i32>} : memref<16x256xf32, #tpu.memory_space<vmem>>, vector<1x16xf32>,
      %get3A_302 = vector.shape_cast %get3A_301 : vector<1x16xf32> to vector<16xf32>
      %sub3A_303 = arith.subf %get3A_302, %select_n3A_278 : vector<16xf32>
      %exp3A_304 = math.exp %sub3A_303 : vector<16xf32>
      %add3A_305 = arith.addf %add3A_297, %exp3A_304 : vector<16xf32>
      %get3A_306 = arith.constant 3 : i32
      %get3A_307 = arith.index_cast %get3A_306 : i32 to index
      %get3A_308 = arith.index_cast %mul3A_8 : i32 to index
      %get3A_309 = tpu.vector_load %arg7[%get3A_307, %get3A_308] {strides = array<i32>} : memref<16x256xf32, #tpu.memory_space<vmem>>, vector<1x16xf32>,
      %get3A_310 = vector.shape_cast %get3A_309 : vector<1x16xf32> to vector<16xf32>
      %sub3A_311 = arith.subf %get3A_310, %select_n3A_278 : vector<16xf32>
      %exp3A_312 = math.exp %sub3A_311 : vector<16xf32>
      %add3A_313 = arith.addf %add3A_305, %exp3A_312 : vector<16xf32>
      %get3A_314 = arith.constant 4 : i32
      %get3A_315 = arith.index_cast %get3A_314 : i32 to index
      %get3A_316 = arith.index_cast %mul3A_8 : i32 to index
      %get3A_317 = tpu.vector_load %arg7[%get3A_315, %get3A_316] {strides = array<i32>} : memref<16x256xf32, #tpu.memory_space<vmem>>, vector<1x16xf32>,
      %get3A_318 = vector.shape_cast %get3A_317 : vector<1x16xf32> to vector<16xf32>
      %sub3A_319 = arith.subf %get3A_318, %select_n3A_278 : vector<16xf32>
      %exp3A_320 = math.exp %sub3A_319 : vector<16xf32>
      %add3A_321 = arith.addf %add3A_313, %exp3A_320 : vector<16xf32>
      %get3A_322 = arith.constant 5 : i32
      %get3A_323 = arith.index_cast %get3A_322 : i32 to index
      %get3A_324 = arith.index_cast %mul3A_8 : i32 to index
      %get3A_325 = tpu.vector_load %arg7[%get3A_323, %get3A_324] {strides = array<i32>} : memref<16x256xf32, #tpu.memory_space<vmem>>, vector<1x16xf32>,
      %get3A_326 = vector.shape_cast %get3A_325 : vector<1x16xf32> to vector<16xf32>
      %sub3A_327 = arith.subf %get3A_326, %select_n3A_278 : vector<16xf32>
      %exp3A_328 = math.exp %sub3A_327 : vector<16xf32>
      %add3A_329 = arith.addf %add3A_321, %exp3A_328 : vector<16xf32>
      %get3A_330 = arith.constant 6 : i32
      %get3A_331 = arith.index_cast %get3A_330 : i32 to index
      %get3A_332 = arith.index_cast %mul3A_8 : i32 to index
      %get3A_333 = tpu.vector_load %arg7[%get3A_331, %get3A_332] {strides = array<i32>} : memref<16x256xf32, #tpu.memory_space<vmem>>, vector<1x16xf32>,
      %get3A_334 = vector.shape_cast %get3A_333 : vector<1x16xf32> to vector<16xf32>
      %sub3A_335 = arith.subf %get3A_334, %select_n3A_278 : vector<16xf32>
      %exp3A_336 = math.exp %sub3A_335 : vector<16xf32>
      %add3A_337 = arith.addf %add3A_329, %exp3A_336 : vector<16xf32>
      %get3A_338 = arith.constant 7 : i32
      %get3A_339 = arith.index_cast %get3A_338 : i32 to index
      %get3A_340 = arith.index_cast %mul3A_8 : i32 to index
      %get3A_341 = tpu.vector_load %arg7[%get3A_339, %get3A_340] {strides = array<i32>} : memref<16x256xf32, #tpu.memory_space<vmem>>, vector<1x16xf32>,
      %get3A_342 = vector.shape_cast %get3A_341 : vector<1x16xf32> to vector<16xf32>
      %sub3A_343 = arith.subf %get3A_342, %select_n3A_278 : vector<16xf32>
      %exp3A_344 = math.exp %sub3A_343 : vector<16xf32>
      %add3A_345 = arith.addf %add3A_337, %exp3A_344 : vector<16xf32>
      %get3A_346 = arith.constant 8 : i32
      %get3A_347 = arith.index_cast %get3A_346 : i32 to index
      %get3A_348 = arith.index_cast %mul3A_8 : i32 to index
      %get3A_349 = tpu.vector_load %arg7[%get3A_347, %get3A_348] {strides = array<i32>} : memref<16x256xf32, #tpu.memory_space<vmem>>, vector<1x16xf32>,
      %get3A_350 = vector.shape_cast %get3A_349 : vector<1x16xf32> to vector<16xf32>
      %sub3A_351 = arith.subf %get3A_350, %select_n3A_278 : vector<16xf32>
      %exp3A_352 = math.exp %sub3A_351 : vector<16xf32>
      %add3A_353 = arith.addf %add3A_345, %exp3A_352 : vector<16xf32>
      %get3A_354 = arith.constant 9 : i32
      %get3A_355 = arith.index_cast %get3A_354 : i32 to index
      %get3A_356 = arith.index_cast %mul3A_8 : i32 to index
      %get3A_357 = tpu.vector_load %arg7[%get3A_355, %get3A_356] {strides = array<i32>} : memref<16x256xf32, #tpu.memory_space<vmem>>, vector<1x16xf32>,
      %get3A_358 = vector.shape_cast %get3A_357 : vector<1x16xf32> to vector<16xf32>
      %sub3A_359 = arith.subf %get3A_358, %select_n3A_278 : vector<16xf32>
      %exp3A_360 = math.exp %sub3A_359 : vector<16xf32>
      %add3A_361 = arith.addf %add3A_353, %exp3A_360 : vector<16xf32>
      %get3A_362 = arith.constant 10 : i32
      %get3A_363 = arith.index_cast %get3A_362 : i32 to index
      %get3A_364 = arith.index_cast %mul3A_8 : i32 to index
      %get3A_365 = tpu.vector_load %arg7[%get3A_363, %get3A_364] {strides = array<i32>} : memref<16x256xf32, #tpu.memory_space<vmem>>, vector<1x16xf32>,
      %get3A_366 = vector.shape_cast %get3A_365 : vector<1x16xf32> to vector<16xf32>
      %sub3A_367 = arith.subf %get3A_366, %select_n3A_278 : vector<16xf32>
      %exp3A_368 = math.exp %sub3A_367 : vector<16xf32>
      %add3A_369 = arith.addf %add3A_361, %exp3A_368 : vector<16xf32>
      %get3A_370 = arith.constant 11 : i32
      %get3A_371 = arith.index_cast %get3A_370 : i32 to index
      %get3A_372 = arith.index_cast %mul3A_8 : i32 to index
      %get3A_373 = tpu.vector_load %arg7[%get3A_371, %get3A_372] {strides = array<i32>} : memref<16x256xf32, #tpu.memory_space<vmem>>, vector<1x16xf32>,
      %get3A_374 = vector.shape_cast %get3A_373 : vector<1x16xf32> to vector<16xf32>
      %sub3A_375 = arith.subf %get3A_374, %select_n3A_278 : vector<16xf32>
      %exp3A_376 = math.exp %sub3A_375 : vector<16xf32>
      %add3A_377 = arith.addf %add3A_369, %exp3A_376 : vector<16xf32>
      %get3A_378 = arith.constant 12 : i32
      %get3A_379 = arith.index_cast %get3A_378 : i32 to index
      %get3A_380 = arith.index_cast %mul3A_8 : i32 to index
      %get3A_381 = tpu.vector_load %arg7[%get3A_379, %get3A_380] {strides = array<i32>} : memref<16x256xf32, #tpu.memory_space<vmem>>, vector<1x16xf32>,
      %get3A_382 = vector.shape_cast %get3A_381 : vector<1x16xf32> to vector<16xf32>
      %sub3A_383 = arith.subf %get3A_382, %select_n3A_278 : vector<16xf32>
      %exp3A_384 = math.exp %sub3A_383 : vector<16xf32>
      %add3A_385 = arith.addf %add3A_377, %exp3A_384 : vector<16xf32>
      %get3A_386 = arith.constant 13 : i32
      %get3A_387 = arith.index_cast %get3A_386 : i32 to index
      %get3A_388 = arith.index_cast %mul3A_8 : i32 to index
      %get3A_389 = tpu.vector_load %arg7[%get3A_387, %get3A_388] {strides = array<i32>} : memref<16x256xf32, #tpu.memory_space<vmem>>, vector<1x16xf32>,
      %get3A_390 = vector.shape_cast %get3A_389 : vector<1x16xf32> to vector<16xf32>
      %sub3A_391 = arith.subf %get3A_390, %select_n3A_278 : vector<16xf32>
      %exp3A_392 = math.exp %sub3A_391 : vector<16xf32>
      %add3A_393 = arith.addf %add3A_385, %exp3A_392 : vector<16xf32>
      %get3A_394 = arith.constant 14 : i32
      %get3A_395 = arith.index_cast %get3A_394 : i32 to index
      %get3A_396 = arith.index_cast %mul3A_8 : i32 to index
      %get3A_397 = tpu.vector_load %arg7[%get3A_395, %get3A_396] {strides = array<i32>} : memref<16x256xf32, #tpu.memory_space<vmem>>, vector<1x16xf32>,
      %get3A_398 = vector.shape_cast %get3A_397 : vector<1x16xf32> to vector<16xf32>
      %sub3A_399 = arith.subf %get3A_398, %select_n3A_278 : vector<16xf32>
      %exp3A_400 = math.exp %sub3A_399 : vector<16xf32>
      %add3A_401 = arith.addf %add3A_393, %exp3A_400 : vector<16xf32>
      %get3A_402 = arith.constant 15 : i32
      %get3A_403 = arith.index_cast %get3A_402 : i32 to index
      %get3A_404 = arith.index_cast %mul3A_8 : i32 to index
      %get3A_405 = tpu.vector_load %arg7[%get3A_403, %get3A_404] {strides = array<i32>} : memref<16x256xf32, #tpu.memory_space<vmem>>, vector<1x16xf32>,
      %get3A_406 = vector.shape_cast %get3A_405 : vector<1x16xf32> to vector<16xf32>
      %sub3A_407 = arith.subf %get3A_406, %select_n3A_278 : vector<16xf32>
      %exp3A_408 = math.exp %sub3A_407 : vector<16xf32>
      %add3A_409 = arith.addf %add3A_401, %exp3A_408 : vector<16xf32>
      %swap3A = arith.index_cast %mul3A_8 : i32 to index
      %swap3A_410 = tpu.vector_load %arg8[%swap3A] {strides = array<i32>} : memref<256xi32, #tpu.memory_space<vmem>>, vector<16xi32>,
      %swap3A_411 = vector.shape_cast %swap3A_410 : vector<16xi32> to vector<16xi32>
      %swap3A_412 = vector.shape_cast %select_n3A_281 : vector<16xi32> to vector<16xi32>
      tpu.vector_store %arg8[%swap3A], %swap3A_412 {strides = array<i32>} : memref<256xi32, #tpu.memory_space<vmem>>, vector<16xi32>,
      %swap3A_413 = arith.index_cast %mul3A_8 : i32 to index
      %swap3A_414 = tpu.vector_load %arg9[%swap3A_413] {strides = array<i32>} : memref<256xi32, #tpu.memory_space<vmem>>, vector<16xi32>,
      %swap3A_415 = vector.shape_cast %swap3A_414 : vector<16xi32> to vector<16xi32>
      %swap3A_416 = vector.shape_cast %select_n3A_277 : vector<16xi32> to vector<16xi32>
      tpu.vector_store %arg9[%swap3A_413], %swap3A_416 {strides = array<i32>} : memref<256xi32, #tpu.memory_space<vmem>>, vector<16xi32>,
      %div3A = arith.constant 1.000000e+00 : f32
      %div3A_417 = vector.broadcast %div3A : f32 to vector<16xf32>
      %div3A_418 = arith.divf %div3A_417, %add3A_409 : vector<16xf32>
      %swap3A_419 = arith.index_cast %mul3A_8 : i32 to index
      %swap3A_420 = tpu.vector_load %arg10[%swap3A_419] {strides = array<i32>} : memref<256xf32, #tpu.memory_space<vmem>>, vector<16xf32>,
      %swap3A_421 = vector.shape_cast %swap3A_420 : vector<16xf32> to vector<16xf32>
      %swap3A_422 = vector.shape_cast %div3A_418 : vector<16xf32> to vector<16xf32>
      tpu.vector_store %arg10[%swap3A_419], %swap3A_422 {strides = array<i32>} : memref<256xf32, #tpu.memory_space<vmem>>, vector<16xf32>,
      %sub3A_423 = arith.subf %select_n3A_273, %select_n3A_278 : vector<16xf32>
      %exp3A_424 = math.exp %sub3A_423 : vector<16xf32>
      %div3A_425 = arith.divf %exp3A_424, %add3A_409 : vector<16xf32>
      %swap3A_426 = arith.index_cast %mul3A_8 : i32 to index
      %swap3A_427 = tpu.vector_load %arg11[%swap3A_426] {strides = array<i32>} : memref<256xf32, #tpu.memory_space<vmem>>, vector<16xf32>,
      %swap3A_428 = vector.shape_cast %swap3A_427 : vector<16xf32> to vector<16xf32>
      %swap3A_429 = vector.shape_cast %div3A_425 : vector<16xf32> to vector<16xf32>
      tpu.vector_store %arg11[%swap3A_426], %swap3A_429 {strides = array<i32>} : memref<256xf32, #tpu.memory_space<vmem>>, vector<16xf32>,
    }
    %scan3A_5 = arith.constant 16 : i32
    "tpu.region"() ({
      %run_scoped3A = tpu.sem_alloc : memref<!tpu.dma_semaphore, #tpu.memory_space<semaphore_mem>>
      %dma_start3A = arith.constant 0 : i32
      %dma_start3A_6 = tpu.memref_slice %arg3[%add3A, %dma_start3A] : memref<32x256xi32, #tpu.memory_space<hbm>> -> memref<1x256xi32, #tpu.memory_space<hbm>>
      %dma_start3A_7 = tpu.memref_squeeze %dma_start3A_6 : memref<1x256xi32, #tpu.memory_space<hbm>> -> memref<256xi32, #tpu.memory_space<hbm>>
      %dma_start3A_8 = arith.constant 0 : i32
      %dma_start3A_9 = tpu.memref_slice %arg3[%add3A, %dma_start3A_8] : memref<32x256xi32, #tpu.memory_space<hbm>> -> memref<1x256xi32, #tpu.memory_space<hbm>>
      %dma_start3A_10 = tpu.memref_squeeze %dma_start3A_9 : memref<1x256xi32, #tpu.memory_space<hbm>> -> memref<256xi32, #tpu.memory_space<hbm>>
      tpu.enqueue_dma source(%arg8 : memref<256xi32, #tpu.memory_space<vmem>>) target(%dma_start3A_10 : memref<256xi32, #tpu.memory_space<hbm>>) target_semaphore(%run_scoped3A : memref<!tpu.dma_semaphore, #tpu.memory_space<semaphore_mem>>)
      %dma_wait3A = arith.constant 0 : i32
      %dma_wait3A_11 = tpu.memref_slice %arg3[%add3A, %dma_wait3A] : memref<32x256xi32, #tpu.memory_space<hbm>> -> memref<1x256xi32, #tpu.memory_space<hbm>>
      %dma_wait3A_12 = tpu.memref_squeeze %dma_wait3A_11 : memref<1x256xi32, #tpu.memory_space<hbm>> -> memref<256xi32, #tpu.memory_space<hbm>>
      %dma_wait3A_13 = arith.constant 0 : i32
      %dma_wait3A_14 = tpu.memref_slice %arg3[%add3A, %dma_wait3A_13] : memref<32x256xi32, #tpu.memory_space<hbm>> -> memref<1x256xi32, #tpu.memory_space<hbm>>
      %dma_wait3A_15 = tpu.memref_squeeze %dma_wait3A_14 : memref<1x256xi32, #tpu.memory_space<hbm>> -> memref<256xi32, #tpu.memory_space<hbm>>
      tpu.wait_dma2 semaphore(%run_scoped3A : memref<!tpu.dma_semaphore, #tpu.memory_space<semaphore_mem>>) src(%arg8 : memref<256xi32, #tpu.memory_space<vmem>>) dst(%dma_wait3A_15 : memref<256xi32, #tpu.memory_space<hbm>>)
      tpu.yield
    }) : () -> ()
    "tpu.region"() ({
      %run_scoped3A = tpu.sem_alloc : memref<!tpu.dma_semaphore, #tpu.memory_space<semaphore_mem>>
      %dma_start3A = arith.constant 0 : i32
      %dma_start3A_6 = tpu.memref_slice %arg4[%add3A, %dma_start3A] : memref<32x256xi32, #tpu.memory_space<hbm>> -> memref<1x256xi32, #tpu.memory_space<hbm>>
      %dma_start3A_7 = tpu.memref_squeeze %dma_start3A_6 : memref<1x256xi32, #tpu.memory_space<hbm>> -> memref<256xi32, #tpu.memory_space<hbm>>
      %dma_start3A_8 = arith.constant 0 : i32
      %dma_start3A_9 = tpu.memref_slice %arg4[%add3A, %dma_start3A_8] : memref<32x256xi32, #tpu.memory_space<hbm>> -> memref<1x256xi32, #tpu.memory_space<hbm>>
      %dma_start3A_10 = tpu.memref_squeeze %dma_start3A_9 : memref<1x256xi32, #tpu.memory_space<hbm>> -> memref<256xi32, #tpu.memory_space<hbm>>
      tpu.enqueue_dma source(%arg9 : memref<256xi32, #tpu.memory_space<vmem>>) target(%dma_start3A_10 : memref<256xi32, #tpu.memory_space<hbm>>) target_semaphore(%run_scoped3A : memref<!tpu.dma_semaphore, #tpu.memory_space<semaphore_mem>>)
      %dma_wait3A = arith.constant 0 : i32
      %dma_wait3A_11 = tpu.memref_slice %arg4[%add3A, %dma_wait3A] : memref<32x256xi32, #tpu.memory_space<hbm>> -> memref<1x256xi32, #tpu.memory_space<hbm>>
      %dma_wait3A_12 = tpu.memref_squeeze %dma_wait3A_11 : memref<1x256xi32, #tpu.memory_space<hbm>> -> memref<256xi32, #tpu.memory_space<hbm>>
      %dma_wait3A_13 = arith.constant 0 : i32
      %dma_wait3A_14 = tpu.memref_slice %arg4[%add3A, %dma_wait3A_13] : memref<32x256xi32, #tpu.memory_space<hbm>> -> memref<1x256xi32, #tpu.memory_space<hbm>>
      %dma_wait3A_15 = tpu.memref_squeeze %dma_wait3A_14 : memref<1x256xi32, #tpu.memory_space<hbm>> -> memref<256xi32, #tpu.memory_space<hbm>>
      tpu.wait_dma2 semaphore(%run_scoped3A : memref<!tpu.dma_semaphore, #tpu.memory_space<semaphore_mem>>) src(%arg9 : memref<256xi32, #tpu.memory_space<vmem>>) dst(%dma_wait3A_15 : memref<256xi32, #tpu.memory_space<hbm>>)
      tpu.yield
    }) : () -> ()
    "tpu.region"() ({
      %run_scoped3A = tpu.sem_alloc : memref<!tpu.dma_semaphore, #tpu.memory_space<semaphore_mem>>
      %dma_start3A = arith.constant 0 : i32
      %dma_start3A_6 = tpu.memref_slice %arg5[%add3A, %dma_start3A] : memref<32x256xf32, #tpu.memory_space<hbm>> -> memref<1x256xf32, #tpu.memory_space<hbm>>
      %dma_start3A_7 = tpu.memref_squeeze %dma_start3A_6 : memref<1x256xf32, #tpu.memory_space<hbm>> -> memref<256xf32, #tpu.memory_space<hbm>>
      %dma_start3A_8 = arith.constant 0 : i32
      %dma_start3A_9 = tpu.memref_slice %arg5[%add3A, %dma_start3A_8] : memref<32x256xf32, #tpu.memory_space<hbm>> -> memref<1x256xf32, #tpu.memory_space<hbm>>
      %dma_start3A_10 = tpu.memref_squeeze %dma_start3A_9 : memref<1x256xf32, #tpu.memory_space<hbm>> -> memref<256xf32, #tpu.memory_space<hbm>>
      tpu.enqueue_dma source(%arg10 : memref<256xf32, #tpu.memory_space<vmem>>) target(%dma_start3A_10 : memref<256xf32, #tpu.memory_space<hbm>>) target_semaphore(%run_scoped3A : memref<!tpu.dma_semaphore, #tpu.memory_space<semaphore_mem>>)
      %dma_wait3A = arith.constant 0 : i32
      %dma_wait3A_11 = tpu.memref_slice %arg5[%add3A, %dma_wait3A] : memref<32x256xf32, #tpu.memory_space<hbm>> -> memref<1x256xf32, #tpu.memory_space<hbm>>
      %dma_wait3A_12 = tpu.memref_squeeze %dma_wait3A_11 : memref<1x256xf32, #tpu.memory_space<hbm>> -> memref<256xf32, #tpu.memory_space<hbm>>
      %dma_wait3A_13 = arith.constant 0 : i32
      %dma_wait3A_14 = tpu.memref_slice %arg5[%add3A, %dma_wait3A_13] : memref<32x256xf32, #tpu.memory_space<hbm>> -> memref<1x256xf32, #tpu.memory_space<hbm>>
      %dma_wait3A_15 = tpu.memref_squeeze %dma_wait3A_14 : memref<1x256xf32, #tpu.memory_space<hbm>> -> memref<256xf32, #tpu.memory_space<hbm>>
      tpu.wait_dma2 semaphore(%run_scoped3A : memref<!tpu.dma_semaphore, #tpu.memory_space<semaphore_mem>>) src(%arg10 : memref<256xf32, #tpu.memory_space<vmem>>) dst(%dma_wait3A_15 : memref<256xf32, #tpu.memory_space<hbm>>)
      tpu.yield
    }) : () -> ()
    "tpu.region"() ({
      %run_scoped3A = tpu.sem_alloc : memref<!tpu.dma_semaphore, #tpu.memory_space<semaphore_mem>>
      %dma_start3A = arith.constant 0 : i32
      %dma_start3A_6 = tpu.memref_slice %arg6[%add3A, %dma_start3A] : memref<32x256xf32, #tpu.memory_space<hbm>> -> memref<1x256xf32, #tpu.memory_space<hbm>>
      %dma_start3A_7 = tpu.memref_squeeze %dma_start3A_6 : memref<1x256xf32, #tpu.memory_space<hbm>> -> memref<256xf32, #tpu.memory_space<hbm>>
      %dma_start3A_8 = arith.constant 0 : i32
      %dma_start3A_9 = tpu.memref_slice %arg6[%add3A, %dma_start3A_8] : memref<32x256xf32, #tpu.memory_space<hbm>> -> memref<1x256xf32, #tpu.memory_space<hbm>>
      %dma_start3A_10 = tpu.memref_squeeze %dma_start3A_9 : memref<1x256xf32, #tpu.memory_space<hbm>> -> memref<256xf32, #tpu.memory_space<hbm>>
      tpu.enqueue_dma source(%arg11 : memref<256xf32, #tpu.memory_space<vmem>>) target(%dma_start3A_10 : memref<256xf32, #tpu.memory_space<hbm>>) target_semaphore(%run_scoped3A : memref<!tpu.dma_semaphore, #tpu.memory_space<semaphore_mem>>)
      %dma_wait3A = arith.constant 0 : i32
      %dma_wait3A_11 = tpu.memref_slice %arg6[%add3A, %dma_wait3A] : memref<32x256xf32, #tpu.memory_space<hbm>> -> memref<1x256xf32, #tpu.memory_space<hbm>>
      %dma_wait3A_12 = tpu.memref_squeeze %dma_wait3A_11 : memref<1x256xf32, #tpu.memory_space<hbm>> -> memref<256xf32, #tpu.memory_space<hbm>>
      %dma_wait3A_13 = arith.constant 0 : i32
      %dma_wait3A_14 = tpu.memref_slice %arg6[%add3A, %dma_wait3A_13] : memref<32x256xf32, #tpu.memory_space<hbm>> -> memref<1x256xf32, #tpu.memory_space<hbm>>
      %dma_wait3A_15 = tpu.memref_squeeze %dma_wait3A_14 : memref<1x256xf32, #tpu.memory_space<hbm>> -> memref<256xf32, #tpu.memory_space<hbm>>
      tpu.wait_dma2 semaphore(%run_scoped3A : memref<!tpu.dma_semaphore, #tpu.memory_space<semaphore_mem>>) src(%arg11 : memref<256xf32, #tpu.memory_space<vmem>>) dst(%dma_wait3A_15 : memref<256xf32, #tpu.memory_space<hbm>>)
      tpu.yield
    }) : () -> ()
    return
  }
}

#map = affine_map<(d0, d1) -> (0, 0, 0)>
#map1 = affine_map<(d0, d1) -> (0, 0)>
module attributes {stable_mosaic.version = 14 : i64} {
  func.func @_route_sc(%arg0: i32, %arg1: i32, %arg2: memref<32x16x256xf32, #tpu.memory_space<hbm>>, %arg3: memref<32x256xi32, #tpu.memory_space<hbm>>, %arg4: memref<32x256xi32, #tpu.memory_space<hbm>>, %arg5: memref<32x256xf32, #tpu.memory_space<hbm>>, %arg6: memref<32x256xf32, #tpu.memory_space<hbm>>, %arg7: memref<16x256xf32, #tpu.memory_space<vmem>>, %arg8: memref<256xi32, #tpu.memory_space<vmem>>, %arg9: memref<256xi32, #tpu.memory_space<vmem>>, %arg10: memref<256xf32, #tpu.memory_space<vmem>>, %arg11: memref<256xf32, #tpu.memory_space<vmem>>) attributes {dimension_semantics = [#tpu.dimension_semantics<core_parallel>, #tpu.dimension_semantics<subcore_parallel>], iteration_bounds = array<i64: 2, 16>, scalar_prefetch = 0 : i64, scratch_operands = 5 : i64, tpu.core_type = #tpu.core_type<sc_vector_subcore>, window_params = [{transform_indices = #map}, {transform_indices = #map1}, {transform_indices = #map1}, {transform_indices = #map1}, {transform_indices = #map1}]} {
    %mul3A = arith.constant 2 : i32
    %mul3A_0 = arith.muli %arg1, %mul3A : i32
    %add3A = arith.addi %mul3A_0, %arg0 : i32
    "tpu.region"() ({
      %run_scoped3A = tpu.sem_alloc : memref<!tpu.dma_semaphore, #tpu.memory_space<semaphore_mem>>
      %dma_start3A = arith.constant 0 : i32
      %dma_start3A_6 = arith.constant 0 : i32
      %dma_start3A_7 = tpu.memref_slice %arg2[%add3A, %dma_start3A, %dma_start3A_6] : memref<32x16x256xf32, #tpu.memory_space<hbm>> -> memref<1x16x256xf32, #tpu.memory_space<hbm>>
      %dma_start3A_8 = tpu.memref_squeeze %dma_start3A_7 : memref<1x16x256xf32, #tpu.memory_space<hbm>> -> memref<16x256xf32, #tpu.memory_space<hbm>>
      %dma_start3A_9 = arith.constant 0 : i32
      %dma_start3A_10 = arith.constant 0 : i32
      %dma_start3A_11 = tpu.memref_slice %arg2[%add3A, %dma_start3A_9, %dma_start3A_10] : memref<32x16x256xf32, #tpu.memory_space<hbm>> -> memref<1x16x256xf32, #tpu.memory_space<hbm>>
      %dma_start3A_12 = tpu.memref_squeeze %dma_start3A_11 : memref<1x16x256xf32, #tpu.memory_space<hbm>> -> memref<16x256xf32, #tpu.memory_space<hbm>>
      tpu.enqueue_dma source(%dma_start3A_12 : memref<16x256xf32, #tpu.memory_space<hbm>>) target(%arg7 : memref<16x256xf32, #tpu.memory_space<vmem>>) target_semaphore(%run_scoped3A : memref<!tpu.dma_semaphore, #tpu.memory_space<semaphore_mem>>)
      %dma_wait3A = arith.constant 0 : i32
      %dma_wait3A_13 = arith.constant 0 : i32
      %dma_wait3A_14 = tpu.memref_slice %arg2[%add3A, %dma_wait3A, %dma_wait3A_13] : memref<32x16x256xf32, #tpu.memory_space<hbm>> -> memref<1x16x256xf32, #tpu.memory_space<hbm>>
      %dma_wait3A_15 = tpu.memref_squeeze %dma_wait3A_14 : memref<1x16x256xf32, #tpu.memory_space<hbm>> -> memref<16x256xf32, #tpu.memory_space<hbm>>
      %dma_wait3A_16 = arith.constant 0 : i32
      %dma_wait3A_17 = arith.constant 0 : i32
      %dma_wait3A_18 = tpu.memref_slice %arg2[%add3A, %dma_wait3A_16, %dma_wait3A_17] : memref<32x16x256xf32, #tpu.memory_space<hbm>> -> memref<1x16x256xf32, #tpu.memory_space<hbm>>
      %dma_wait3A_19 = tpu.memref_squeeze %dma_wait3A_18 : memref<1x16x256xf32, #tpu.memory_space<hbm>> -> memref<16x256xf32, #tpu.memory_space<hbm>>
      tpu.wait_dma2 semaphore(%run_scoped3A : memref<!tpu.dma_semaphore, #tpu.memory_space<semaphore_mem>>) src(%dma_wait3A_19 : memref<16x256xf32, #tpu.memory_space<hbm>>) dst(%arg7 : memref<16x256xf32, #tpu.memory_space<vmem>>)
      tpu.yield
    }) : () -> ()
    %scan3A = arith.constant 0 : i32
    %scan3A_1 = arith.constant 0 : i32
    %scan3A_2 = arith.constant 16 : i32
    %scan3A_3 = arith.addi %scan3A_1, %scan3A_2 : i32
    %scan3A_4 = arith.constant 1 : i32
    scf.for %scan3A_6 = %scan3A_1 to %scan3A_3 step %scan3A_4  : i32 {
      %mul3A_7 = arith.constant 16 : i32
      %mul3A_8 = arith.muli %scan3A_6, %mul3A_7 : i32
      %broadcast_in_dim3A = arith.constant 0xFF800000 : f32
      %broadcast_in_dim3A_9 = vector.broadcast %broadcast_in_dim3A : f32 to vector<16xf32>
      %broadcast_in_dim3A_10 = arith.constant 0 : i32
      %broadcast_in_dim3A_11 = vector.broadcast %broadcast_in_dim3A_10 : i32 to vector<16xi32>
      %broadcast_in_dim3A_12 = arith.constant 0 : i32
      %broadcast_in_dim3A_13 = vector.broadcast %broadcast_in_dim3A_12 : i32 to vector<16xi32>
      %get3A = arith.constant 0 : i32
      %get3A_14 = arith.index_cast %get3A : i32 to index
      %get3A_15 = arith.index_cast %mul3A_8 : i32 to index
      %get3A_16 = tpu.vector_load %arg7[%get3A_14, %get3A_15] {strides = array<i32>} : memref<16x256xf32, #tpu.memory_space<vmem>>, vector<1x16xf32>,
      %get3A_17 = vector.shape_cast %get3A_16 : vector<1x16xf32> to vector<16xf32>
      %gt3A = arith.cmpf ogt, %get3A_17, %broadcast_in_dim3A_9 : vector<16xf32>
      %gt3A_18 = arith.cmpf ogt, %get3A_17, %broadcast_in_dim3A_9 : vector<16xf32>
      %select_n3A = arith.select %gt3A_18, %get3A_17, %broadcast_in_dim3A_9 : vector<16xi1>, vector<16xf32>
      %select_n3A_19 = arith.select %gt3A, %broadcast_in_dim3A_9, %select_n3A : vector<16xi1>, vector<16xf32>
      %jit3A = arith.constant 0 : i32
      %broadcast_in_dim3A_20 = vector.broadcast %jit3A : i32 to vector<16xi32>
      %select_n3A_21 = arith.select %gt3A_18, %broadcast_in_dim3A_20, %broadcast_in_dim3A_13 : vector<16xi1>, vector<16xi32>
      %select_n3A_22 = arith.select %gt3A, %broadcast_in_dim3A_11, %select_n3A_21 : vector<16xi1>, vector<16xi32>
      %select_n3A_23 = arith.select %gt3A, %get3A_17, %broadcast_in_dim3A_9 : vector<16xi1>, vector<16xf32>
      %jit3A_24 = arith.constant 0 : i32
      %broadcast_in_dim3A_25 = vector.broadcast %jit3A_24 : i32 to vector<16xi32>
      %select_n3A_26 = arith.select %gt3A, %broadcast_in_dim3A_25, %broadcast_in_dim3A_11 : vector<16xi1>, vector<16xi32>
      %get3A_27 = arith.constant 1 : i32
      %get3A_28 = arith.index_cast %get3A_27 : i32 to index
      %get3A_29 = arith.index_cast %mul3A_8 : i32 to index
      %get3A_30 = tpu.vector_load %arg7[%get3A_28, %get3A_29] {strides = array<i32>} : memref<16x256xf32, #tpu.memory_space<vmem>>, vector<1x16xf32>,
      %get3A_31 = vector.shape_cast %get3A_30 : vector<1x16xf32> to vector<16xf32>
      %gt3A_32 = arith.cmpf ogt, %get3A_31, %select_n3A_23 : vector<16xf32>
      %gt3A_33 = arith.cmpf ogt, %get3A_31, %select_n3A_19 : vector<16xf32>
      %select_n3A_34 = arith.select %gt3A_33, %get3A_31, %select_n3A_19 : vector<16xi1>, vector<16xf32>
      %select_n3A_35 = arith.select %gt3A_32, %select_n3A_23, %select_n3A_34 : vector<16xi1>, vector<16xf32>
      %jit3A_36 = arith.constant 1 : i32
      %broadcast_in_dim3A_37 = vector.broadcast %jit3A_36 : i32 to vector<16xi32>
      %select_n3A_38 = arith.select %gt3A_33, %broadcast_in_dim3A_37, %select_n3A_22 : vector<16xi1>, vector<16xi32>
      %select_n3A_39 = arith.select %gt3A_32, %select_n3A_26, %select_n3A_38 : vector<16xi1>, vector<16xi32>
      %select_n3A_40 = arith.select %gt3A_32, %get3A_31, %select_n3A_23 : vector<16xi1>, vector<16xf32>
      %jit3A_41 = arith.constant 1 : i32
      %broadcast_in_dim3A_42 = vector.broadcast %jit3A_41 : i32 to vector<16xi32>
      %select_n3A_43 = arith.select %gt3A_32, %broadcast_in_dim3A_42, %select_n3A_26 : vector<16xi1>, vector<16xi32>
      %get3A_44 = arith.constant 2 : i32
      %get3A_45 = arith.index_cast %get3A_44 : i32 to index
      %get3A_46 = arith.index_cast %mul3A_8 : i32 to index
      %get3A_47 = tpu.vector_load %arg7[%get3A_45, %get3A_46] {strides = array<i32>} : memref<16x256xf32, #tpu.memory_space<vmem>>, vector<1x16xf32>,
      %get3A_48 = vector.shape_cast %get3A_47 : vector<1x16xf32> to vector<16xf32>
      %gt3A_49 = arith.cmpf ogt, %get3A_48, %select_n3A_40 : vector<16xf32>
      %gt3A_50 = arith.cmpf ogt, %get3A_48, %select_n3A_35 : vector<16xf32>
      %select_n3A_51 = arith.select %gt3A_50, %get3A_48, %select_n3A_35 : vector<16xi1>, vector<16xf32>
      %select_n3A_52 = arith.select %gt3A_49, %select_n3A_40, %select_n3A_51 : vector<16xi1>, vector<16xf32>
      %jit3A_53 = arith.constant 2 : i32
      %broadcast_in_dim3A_54 = vector.broadcast %jit3A_53 : i32 to vector<16xi32>
      %select_n3A_55 = arith.select %gt3A_50, %broadcast_in_dim3A_54, %select_n3A_39 : vector<16xi1>, vector<16xi32>
      %select_n3A_56 = arith.select %gt3A_49, %select_n3A_43, %select_n3A_55 : vector<16xi1>, vector<16xi32>
      %select_n3A_57 = arith.select %gt3A_49, %get3A_48, %select_n3A_40 : vector<16xi1>, vector<16xf32>
      %jit3A_58 = arith.constant 2 : i32
      %broadcast_in_dim3A_59 = vector.broadcast %jit3A_58 : i32 to vector<16xi32>
      %select_n3A_60 = arith.select %gt3A_49, %broadcast_in_dim3A_59, %select_n3A_43 : vector<16xi1>, vector<16xi32>
      %get3A_61 = arith.constant 3 : i32
      %get3A_62 = arith.index_cast %get3A_61 : i32 to index
      %get3A_63 = arith.index_cast %mul3A_8 : i32 to index
      %get3A_64 = tpu.vector_load %arg7[%get3A_62, %get3A_63] {strides = array<i32>} : memref<16x256xf32, #tpu.memory_space<vmem>>, vector<1x16xf32>,
      %get3A_65 = vector.shape_cast %get3A_64 : vector<1x16xf32> to vector<16xf32>
      %gt3A_66 = arith.cmpf ogt, %get3A_65, %select_n3A_57 : vector<16xf32>
      %gt3A_67 = arith.cmpf ogt, %get3A_65, %select_n3A_52 : vector<16xf32>
      %select_n3A_68 = arith.select %gt3A_67, %get3A_65, %select_n3A_52 : vector<16xi1>, vector<16xf32>
      %select_n3A_69 = arith.select %gt3A_66, %select_n3A_57, %select_n3A_68 : vector<16xi1>, vector<16xf32>
      %jit3A_70 = arith.constant 3 : i32
      %broadcast_in_dim3A_71 = vector.broadcast %jit3A_70 : i32 to vector<16xi32>
      %select_n3A_72 = arith.select %gt3A_67, %broadcast_in_dim3A_71, %select_n3A_56 : vector<16xi1>, vector<16xi32>
      %select_n3A_73 = arith.select %gt3A_66, %select_n3A_60, %select_n3A_72 : vector<16xi1>, vector<16xi32>
      %select_n3A_74 = arith.select %gt3A_66, %get3A_65, %select_n3A_57 : vector<16xi1>, vector<16xf32>
      %jit3A_75 = arith.constant 3 : i32
      %broadcast_in_dim3A_76 = vector.broadcast %jit3A_75 : i32 to vector<16xi32>
      %select_n3A_77 = arith.select %gt3A_66, %broadcast_in_dim3A_76, %select_n3A_60 : vector<16xi1>, vector<16xi32>
      %get3A_78 = arith.constant 4 : i32
      %get3A_79 = arith.index_cast %get3A_78 : i32 to index
      %get3A_80 = arith.index_cast %mul3A_8 : i32 to index
      %get3A_81 = tpu.vector_load %arg7[%get3A_79, %get3A_80] {strides = array<i32>} : memref<16x256xf32, #tpu.memory_space<vmem>>, vector<1x16xf32>,
      %get3A_82 = vector.shape_cast %get3A_81 : vector<1x16xf32> to vector<16xf32>
      %gt3A_83 = arith.cmpf ogt, %get3A_82, %select_n3A_74 : vector<16xf32>
      %gt3A_84 = arith.cmpf ogt, %get3A_82, %select_n3A_69 : vector<16xf32>
      %select_n3A_85 = arith.select %gt3A_84, %get3A_82, %select_n3A_69 : vector<16xi1>, vector<16xf32>
      %select_n3A_86 = arith.select %gt3A_83, %select_n3A_74, %select_n3A_85 : vector<16xi1>, vector<16xf32>
      %jit3A_87 = arith.constant 4 : i32
      %broadcast_in_dim3A_88 = vector.broadcast %jit3A_87 : i32 to vector<16xi32>
      %select_n3A_89 = arith.select %gt3A_84, %broadcast_in_dim3A_88, %select_n3A_73 : vector<16xi1>, vector<16xi32>
      %select_n3A_90 = arith.select %gt3A_83, %select_n3A_77, %select_n3A_89 : vector<16xi1>, vector<16xi32>
      %select_n3A_91 = arith.select %gt3A_83, %get3A_82, %select_n3A_74 : vector<16xi1>, vector<16xf32>
      %jit3A_92 = arith.constant 4 : i32
      %broadcast_in_dim3A_93 = vector.broadcast %jit3A_92 : i32 to vector<16xi32>
      %select_n3A_94 = arith.select %gt3A_83, %broadcast_in_dim3A_93, %select_n3A_77 : vector<16xi1>, vector<16xi32>
      %get3A_95 = arith.constant 5 : i32
      %get3A_96 = arith.index_cast %get3A_95 : i32 to index
      %get3A_97 = arith.index_cast %mul3A_8 : i32 to index
      %get3A_98 = tpu.vector_load %arg7[%get3A_96, %get3A_97] {strides = array<i32>} : memref<16x256xf32, #tpu.memory_space<vmem>>, vector<1x16xf32>,
      %get3A_99 = vector.shape_cast %get3A_98 : vector<1x16xf32> to vector<16xf32>
      %gt3A_100 = arith.cmpf ogt, %get3A_99, %select_n3A_91 : vector<16xf32>
      %gt3A_101 = arith.cmpf ogt, %get3A_99, %select_n3A_86 : vector<16xf32>
      %select_n3A_102 = arith.select %gt3A_101, %get3A_99, %select_n3A_86 : vector<16xi1>, vector<16xf32>
      %select_n3A_103 = arith.select %gt3A_100, %select_n3A_91, %select_n3A_102 : vector<16xi1>, vector<16xf32>
      %jit3A_104 = arith.constant 5 : i32
      %broadcast_in_dim3A_105 = vector.broadcast %jit3A_104 : i32 to vector<16xi32>
      %select_n3A_106 = arith.select %gt3A_101, %broadcast_in_dim3A_105, %select_n3A_90 : vector<16xi1>, vector<16xi32>
      %select_n3A_107 = arith.select %gt3A_100, %select_n3A_94, %select_n3A_106 : vector<16xi1>, vector<16xi32>
      %select_n3A_108 = arith.select %gt3A_100, %get3A_99, %select_n3A_91 : vector<16xi1>, vector<16xf32>
      %jit3A_109 = arith.constant 5 : i32
      %broadcast_in_dim3A_110 = vector.broadcast %jit3A_109 : i32 to vector<16xi32>
      %select_n3A_111 = arith.select %gt3A_100, %broadcast_in_dim3A_110, %select_n3A_94 : vector<16xi1>, vector<16xi32>
      %get3A_112 = arith.constant 6 : i32
      %get3A_113 = arith.index_cast %get3A_112 : i32 to index
      %get3A_114 = arith.index_cast %mul3A_8 : i32 to index
      %get3A_115 = tpu.vector_load %arg7[%get3A_113, %get3A_114] {strides = array<i32>} : memref<16x256xf32, #tpu.memory_space<vmem>>, vector<1x16xf32>,
      %get3A_116 = vector.shape_cast %get3A_115 : vector<1x16xf32> to vector<16xf32>
      %gt3A_117 = arith.cmpf ogt, %get3A_116, %select_n3A_108 : vector<16xf32>
      %gt3A_118 = arith.cmpf ogt, %get3A_116, %select_n3A_103 : vector<16xf32>
      %select_n3A_119 = arith.select %gt3A_118, %get3A_116, %select_n3A_103 : vector<16xi1>, vector<16xf32>
      %select_n3A_120 = arith.select %gt3A_117, %select_n3A_108, %select_n3A_119 : vector<16xi1>, vector<16xf32>
      %jit3A_121 = arith.constant 6 : i32
      %broadcast_in_dim3A_122 = vector.broadcast %jit3A_121 : i32 to vector<16xi32>
      %select_n3A_123 = arith.select %gt3A_118, %broadcast_in_dim3A_122, %select_n3A_107 : vector<16xi1>, vector<16xi32>
      %select_n3A_124 = arith.select %gt3A_117, %select_n3A_111, %select_n3A_123 : vector<16xi1>, vector<16xi32>
      %select_n3A_125 = arith.select %gt3A_117, %get3A_116, %select_n3A_108 : vector<16xi1>, vector<16xf32>
      %jit3A_126 = arith.constant 6 : i32
      %broadcast_in_dim3A_127 = vector.broadcast %jit3A_126 : i32 to vector<16xi32>
      %select_n3A_128 = arith.select %gt3A_117, %broadcast_in_dim3A_127, %select_n3A_111 : vector<16xi1>, vector<16xi32>
      %get3A_129 = arith.constant 7 : i32
      %get3A_130 = arith.index_cast %get3A_129 : i32 to index
      %get3A_131 = arith.index_cast %mul3A_8 : i32 to index
      %get3A_132 = tpu.vector_load %arg7[%get3A_130, %get3A_131] {strides = array<i32>} : memref<16x256xf32, #tpu.memory_space<vmem>>, vector<1x16xf32>,
      %get3A_133 = vector.shape_cast %get3A_132 : vector<1x16xf32> to vector<16xf32>
      %gt3A_134 = arith.cmpf ogt, %get3A_133, %select_n3A_125 : vector<16xf32>
      %gt3A_135 = arith.cmpf ogt, %get3A_133, %select_n3A_120 : vector<16xf32>
      %select_n3A_136 = arith.select %gt3A_135, %get3A_133, %select_n3A_120 : vector<16xi1>, vector<16xf32>
      %select_n3A_137 = arith.select %gt3A_134, %select_n3A_125, %select_n3A_136 : vector<16xi1>, vector<16xf32>
      %jit3A_138 = arith.constant 7 : i32
      %broadcast_in_dim3A_139 = vector.broadcast %jit3A_138 : i32 to vector<16xi32>
      %select_n3A_140 = arith.select %gt3A_135, %broadcast_in_dim3A_139, %select_n3A_124 : vector<16xi1>, vector<16xi32>
      %select_n3A_141 = arith.select %gt3A_134, %select_n3A_128, %select_n3A_140 : vector<16xi1>, vector<16xi32>
      %select_n3A_142 = arith.select %gt3A_134, %get3A_133, %select_n3A_125 : vector<16xi1>, vector<16xf32>
      %jit3A_143 = arith.constant 7 : i32
      %broadcast_in_dim3A_144 = vector.broadcast %jit3A_143 : i32 to vector<16xi32>
      %select_n3A_145 = arith.select %gt3A_134, %broadcast_in_dim3A_144, %select_n3A_128 : vector<16xi1>, vector<16xi32>
      %get3A_146 = arith.constant 8 : i32
      %get3A_147 = arith.index_cast %get3A_146 : i32 to index
      %get3A_148 = arith.index_cast %mul3A_8 : i32 to index
      %get3A_149 = tpu.vector_load %arg7[%get3A_147, %get3A_148] {strides = array<i32>} : memref<16x256xf32, #tpu.memory_space<vmem>>, vector<1x16xf32>,
      %get3A_150 = vector.shape_cast %get3A_149 : vector<1x16xf32> to vector<16xf32>
      %gt3A_151 = arith.cmpf ogt, %get3A_150, %select_n3A_142 : vector<16xf32>
      %gt3A_152 = arith.cmpf ogt, %get3A_150, %select_n3A_137 : vector<16xf32>
      %select_n3A_153 = arith.select %gt3A_152, %get3A_150, %select_n3A_137 : vector<16xi1>, vector<16xf32>
      %select_n3A_154 = arith.select %gt3A_151, %select_n3A_142, %select_n3A_153 : vector<16xi1>, vector<16xf32>
      %jit3A_155 = arith.constant 8 : i32
      %broadcast_in_dim3A_156 = vector.broadcast %jit3A_155 : i32 to vector<16xi32>
      %select_n3A_157 = arith.select %gt3A_152, %broadcast_in_dim3A_156, %select_n3A_141 : vector<16xi1>, vector<16xi32>
      %select_n3A_158 = arith.select %gt3A_151, %select_n3A_145, %select_n3A_157 : vector<16xi1>, vector<16xi32>
      %select_n3A_159 = arith.select %gt3A_151, %get3A_150, %select_n3A_142 : vector<16xi1>, vector<16xf32>
      %jit3A_160 = arith.constant 8 : i32
      %broadcast_in_dim3A_161 = vector.broadcast %jit3A_160 : i32 to vector<16xi32>
      %select_n3A_162 = arith.select %gt3A_151, %broadcast_in_dim3A_161, %select_n3A_145 : vector<16xi1>, vector<16xi32>
      %get3A_163 = arith.constant 9 : i32
      %get3A_164 = arith.index_cast %get3A_163 : i32 to index
      %get3A_165 = arith.index_cast %mul3A_8 : i32 to index
      %get3A_166 = tpu.vector_load %arg7[%get3A_164, %get3A_165] {strides = array<i32>} : memref<16x256xf32, #tpu.memory_space<vmem>>, vector<1x16xf32>,
      %get3A_167 = vector.shape_cast %get3A_166 : vector<1x16xf32> to vector<16xf32>
      %gt3A_168 = arith.cmpf ogt, %get3A_167, %select_n3A_159 : vector<16xf32>
      %gt3A_169 = arith.cmpf ogt, %get3A_167, %select_n3A_154 : vector<16xf32>
      %select_n3A_170 = arith.select %gt3A_169, %get3A_167, %select_n3A_154 : vector<16xi1>, vector<16xf32>
      %select_n3A_171 = arith.select %gt3A_168, %select_n3A_159, %select_n3A_170 : vector<16xi1>, vector<16xf32>
      %jit3A_172 = arith.constant 9 : i32
      %broadcast_in_dim3A_173 = vector.broadcast %jit3A_172 : i32 to vector<16xi32>
      %select_n3A_174 = arith.select %gt3A_169, %broadcast_in_dim3A_173, %select_n3A_158 : vector<16xi1>, vector<16xi32>
      %select_n3A_175 = arith.select %gt3A_168, %select_n3A_162, %select_n3A_174 : vector<16xi1>, vector<16xi32>
      %select_n3A_176 = arith.select %gt3A_168, %get3A_167, %select_n3A_159 : vector<16xi1>, vector<16xf32>
      %jit3A_177 = arith.constant 9 : i32
      %broadcast_in_dim3A_178 = vector.broadcast %jit3A_177 : i32 to vector<16xi32>
      %select_n3A_179 = arith.select %gt3A_168, %broadcast_in_dim3A_178, %select_n3A_162 : vector<16xi1>, vector<16xi32>
      %get3A_180 = arith.constant 10 : i32
      %get3A_181 = arith.index_cast %get3A_180 : i32 to index
      %get3A_182 = arith.index_cast %mul3A_8 : i32 to index
      %get3A_183 = tpu.vector_load %arg7[%get3A_181, %get3A_182] {strides = array<i32>} : memref<16x256xf32, #tpu.memory_space<vmem>>, vector<1x16xf32>,
      %get3A_184 = vector.shape_cast %get3A_183 : vector<1x16xf32> to vector<16xf32>
      %gt3A_185 = arith.cmpf ogt, %get3A_184, %select_n3A_176 : vector<16xf32>
      %gt3A_186 = arith.cmpf ogt, %get3A_184, %select_n3A_171 : vector<16xf32>
      %select_n3A_187 = arith.select %gt3A_186, %get3A_184, %select_n3A_171 : vector<16xi1>, vector<16xf32>
      %select_n3A_188 = arith.select %gt3A_185, %select_n3A_176, %select_n3A_187 : vector<16xi1>, vector<16xf32>
      %jit3A_189 = arith.constant 10 : i32
      %broadcast_in_dim3A_190 = vector.broadcast %jit3A_189 : i32 to vector<16xi32>
      %select_n3A_191 = arith.select %gt3A_186, %broadcast_in_dim3A_190, %select_n3A_175 : vector<16xi1>, vector<16xi32>
      %select_n3A_192 = arith.select %gt3A_185, %select_n3A_179, %select_n3A_191 : vector<16xi1>, vector<16xi32>
      %select_n3A_193 = arith.select %gt3A_185, %get3A_184, %select_n3A_176 : vector<16xi1>, vector<16xf32>
      %jit3A_194 = arith.constant 10 : i32
      %broadcast_in_dim3A_195 = vector.broadcast %jit3A_194 : i32 to vector<16xi32>
      %select_n3A_196 = arith.select %gt3A_185, %broadcast_in_dim3A_195, %select_n3A_179 : vector<16xi1>, vector<16xi32>
      %get3A_197 = arith.constant 11 : i32
      %get3A_198 = arith.index_cast %get3A_197 : i32 to index
      %get3A_199 = arith.index_cast %mul3A_8 : i32 to index
      %get3A_200 = tpu.vector_load %arg7[%get3A_198, %get3A_199] {strides = array<i32>} : memref<16x256xf32, #tpu.memory_space<vmem>>, vector<1x16xf32>,
      %get3A_201 = vector.shape_cast %get3A_200 : vector<1x16xf32> to vector<16xf32>
      %gt3A_202 = arith.cmpf ogt, %get3A_201, %select_n3A_193 : vector<16xf32>
      %gt3A_203 = arith.cmpf ogt, %get3A_201, %select_n3A_188 : vector<16xf32>
      %select_n3A_204 = arith.select %gt3A_203, %get3A_201, %select_n3A_188 : vector<16xi1>, vector<16xf32>
      %select_n3A_205 = arith.select %gt3A_202, %select_n3A_193, %select_n3A_204 : vector<16xi1>, vector<16xf32>
      %jit3A_206 = arith.constant 11 : i32
      %broadcast_in_dim3A_207 = vector.broadcast %jit3A_206 : i32 to vector<16xi32>
      %select_n3A_208 = arith.select %gt3A_203, %broadcast_in_dim3A_207, %select_n3A_192 : vector<16xi1>, vector<16xi32>
      %select_n3A_209 = arith.select %gt3A_202, %select_n3A_196, %select_n3A_208 : vector<16xi1>, vector<16xi32>
      %select_n3A_210 = arith.select %gt3A_202, %get3A_201, %select_n3A_193 : vector<16xi1>, vector<16xf32>
      %jit3A_211 = arith.constant 11 : i32
      %broadcast_in_dim3A_212 = vector.broadcast %jit3A_211 : i32 to vector<16xi32>
      %select_n3A_213 = arith.select %gt3A_202, %broadcast_in_dim3A_212, %select_n3A_196 : vector<16xi1>, vector<16xi32>
      %get3A_214 = arith.constant 12 : i32
      %get3A_215 = arith.index_cast %get3A_214 : i32 to index
      %get3A_216 = arith.index_cast %mul3A_8 : i32 to index
      %get3A_217 = tpu.vector_load %arg7[%get3A_215, %get3A_216] {strides = array<i32>} : memref<16x256xf32, #tpu.memory_space<vmem>>, vector<1x16xf32>,
      %get3A_218 = vector.shape_cast %get3A_217 : vector<1x16xf32> to vector<16xf32>
      %gt3A_219 = arith.cmpf ogt, %get3A_218, %select_n3A_210 : vector<16xf32>
      %gt3A_220 = arith.cmpf ogt, %get3A_218, %select_n3A_205 : vector<16xf32>
      %select_n3A_221 = arith.select %gt3A_220, %get3A_218, %select_n3A_205 : vector<16xi1>, vector<16xf32>
      %select_n3A_222 = arith.select %gt3A_219, %select_n3A_210, %select_n3A_221 : vector<16xi1>, vector<16xf32>
      %jit3A_223 = arith.constant 12 : i32
      %broadcast_in_dim3A_224 = vector.broadcast %jit3A_223 : i32 to vector<16xi32>
      %select_n3A_225 = arith.select %gt3A_220, %broadcast_in_dim3A_224, %select_n3A_209 : vector<16xi1>, vector<16xi32>
      %select_n3A_226 = arith.select %gt3A_219, %select_n3A_213, %select_n3A_225 : vector<16xi1>, vector<16xi32>
      %select_n3A_227 = arith.select %gt3A_219, %get3A_218, %select_n3A_210 : vector<16xi1>, vector<16xf32>
      %jit3A_228 = arith.constant 12 : i32
      %broadcast_in_dim3A_229 = vector.broadcast %jit3A_228 : i32 to vector<16xi32>
      %select_n3A_230 = arith.select %gt3A_219, %broadcast_in_dim3A_229, %select_n3A_213 : vector<16xi1>, vector<16xi32>
      %get3A_231 = arith.constant 13 : i32
      %get3A_232 = arith.index_cast %get3A_231 : i32 to index
      %get3A_233 = arith.index_cast %mul3A_8 : i32 to index
      %get3A_234 = tpu.vector_load %arg7[%get3A_232, %get3A_233] {strides = array<i32>} : memref<16x256xf32, #tpu.memory_space<vmem>>, vector<1x16xf32>,
      %get3A_235 = vector.shape_cast %get3A_234 : vector<1x16xf32> to vector<16xf32>
      %gt3A_236 = arith.cmpf ogt, %get3A_235, %select_n3A_227 : vector<16xf32>
      %gt3A_237 = arith.cmpf ogt, %get3A_235, %select_n3A_222 : vector<16xf32>
      %select_n3A_238 = arith.select %gt3A_237, %get3A_235, %select_n3A_222 : vector<16xi1>, vector<16xf32>
      %select_n3A_239 = arith.select %gt3A_236, %select_n3A_227, %select_n3A_238 : vector<16xi1>, vector<16xf32>
      %jit3A_240 = arith.constant 13 : i32
      %broadcast_in_dim3A_241 = vector.broadcast %jit3A_240 : i32 to vector<16xi32>
      %select_n3A_242 = arith.select %gt3A_237, %broadcast_in_dim3A_241, %select_n3A_226 : vector<16xi1>, vector<16xi32>
      %select_n3A_243 = arith.select %gt3A_236, %select_n3A_230, %select_n3A_242 : vector<16xi1>, vector<16xi32>
      %select_n3A_244 = arith.select %gt3A_236, %get3A_235, %select_n3A_227 : vector<16xi1>, vector<16xf32>
      %jit3A_245 = arith.constant 13 : i32
      %broadcast_in_dim3A_246 = vector.broadcast %jit3A_245 : i32 to vector<16xi32>
      %select_n3A_247 = arith.select %gt3A_236, %broadcast_in_dim3A_246, %select_n3A_230 : vector<16xi1>, vector<16xi32>
      %get3A_248 = arith.constant 14 : i32
      %get3A_249 = arith.index_cast %get3A_248 : i32 to index
      %get3A_250 = arith.index_cast %mul3A_8 : i32 to index
      %get3A_251 = tpu.vector_load %arg7[%get3A_249, %get3A_250] {strides = array<i32>} : memref<16x256xf32, #tpu.memory_space<vmem>>, vector<1x16xf32>,
      %get3A_252 = vector.shape_cast %get3A_251 : vector<1x16xf32> to vector<16xf32>
      %gt3A_253 = arith.cmpf ogt, %get3A_252, %select_n3A_244 : vector<16xf32>
      %gt3A_254 = arith.cmpf ogt, %get3A_252, %select_n3A_239 : vector<16xf32>
      %select_n3A_255 = arith.select %gt3A_254, %get3A_252, %select_n3A_239 : vector<16xi1>, vector<16xf32>
      %select_n3A_256 = arith.select %gt3A_253, %select_n3A_244, %select_n3A_255 : vector<16xi1>, vector<16xf32>
      %jit3A_257 = arith.constant 14 : i32
      %broadcast_in_dim3A_258 = vector.broadcast %jit3A_257 : i32 to vector<16xi32>
      %select_n3A_259 = arith.select %gt3A_254, %broadcast_in_dim3A_258, %select_n3A_243 : vector<16xi1>, vector<16xi32>
      %select_n3A_260 = arith.select %gt3A_253, %select_n3A_247, %select_n3A_259 : vector<16xi1>, vector<16xi32>
      %select_n3A_261 = arith.select %gt3A_253, %get3A_252, %select_n3A_244 : vector<16xi1>, vector<16xf32>
      %jit3A_262 = arith.constant 14 : i32
      %broadcast_in_dim3A_263 = vector.broadcast %jit3A_262 : i32 to vector<16xi32>
      %select_n3A_264 = arith.select %gt3A_253, %broadcast_in_dim3A_263, %select_n3A_247 : vector<16xi1>, vector<16xi32>
      %get3A_265 = arith.constant 15 : i32
      %get3A_266 = arith.index_cast %get3A_265 : i32 to index
      %get3A_267 = arith.index_cast %mul3A_8 : i32 to index
      %get3A_268 = tpu.vector_load %arg7[%get3A_266, %get3A_267] {strides = array<i32>} : memref<16x256xf32, #tpu.memory_space<vmem>>, vector<1x16xf32>,
      %get3A_269 = vector.shape_cast %get3A_268 : vector<1x16xf32> to vector<16xf32>
      %gt3A_270 = arith.cmpf ogt, %get3A_269, %select_n3A_261 : vector<16xf32>
      %gt3A_271 = arith.cmpf ogt, %get3A_269, %select_n3A_256 : vector<16xf32>
      %select_n3A_272 = arith.select %gt3A_271, %get3A_269, %select_n3A_256 : vector<16xi1>, vector<16xf32>
      %select_n3A_273 = arith.select %gt3A_270, %select_n3A_261, %select_n3A_272 : vector<16xi1>, vector<16xf32>
      %jit3A_274 = arith.constant 15 : i32
      %broadcast_in_dim3A_275 = vector.broadcast %jit3A_274 : i32 to vector<16xi32>
      %select_n3A_276 = arith.select %gt3A_271, %broadcast_in_dim3A_275, %select_n3A_260 : vector<16xi1>, vector<16xi32>
      %select_n3A_277 = arith.select %gt3A_270, %select_n3A_264, %select_n3A_276 : vector<16xi1>, vector<16xi32>
      %select_n3A_278 = arith.select %gt3A_270, %get3A_269, %select_n3A_261 : vector<16xi1>, vector<16xf32>
      %jit3A_279 = arith.constant 15 : i32
      %broadcast_in_dim3A_280 = vector.broadcast %jit3A_279 : i32 to vector<16xi32>
      %select_n3A_281 = arith.select %gt3A_270, %broadcast_in_dim3A_280, %select_n3A_264 : vector<16xi1>, vector<16xi32>
      %broadcast_in_dim3A_282 = arith.constant 0.000000e+00 : f32
      %broadcast_in_dim3A_283 = vector.broadcast %broadcast_in_dim3A_282 : f32 to vector<16xf32>
      %get3A_284 = arith.constant 0 : i32
      %get3A_285 = arith.index_cast %get3A_284 : i32 to index
      %get3A_286 = arith.index_cast %mul3A_8 : i32 to index
      %get3A_287 = tpu.vector_load %arg7[%get3A_285, %get3A_286] {strides = array<i32>} : memref<16x256xf32, #tpu.memory_space<vmem>>, vector<1x16xf32>,
      %get3A_288 = vector.shape_cast %get3A_287 : vector<1x16xf32> to vector<16xf32>
      %sub3A = arith.subf %get3A_288, %select_n3A_278 : vector<16xf32>
      %exp3A = math.exp %sub3A : vector<16xf32>
      %add3A_289 = arith.addf %broadcast_in_dim3A_283, %exp3A : vector<16xf32>
      %get3A_290 = arith.constant 1 : i32
      %get3A_291 = arith.index_cast %get3A_290 : i32 to index
      %get3A_292 = arith.index_cast %mul3A_8 : i32 to index
      %get3A_293 = tpu.vector_load %arg7[%get3A_291, %get3A_292] {strides = array<i32>} : memref<16x256xf32, #tpu.memory_space<vmem>>, vector<1x16xf32>,
      %get3A_294 = vector.shape_cast %get3A_293 : vector<1x16xf32> to vector<16xf32>
      %sub3A_295 = arith.subf %get3A_294, %select_n3A_278 : vector<16xf32>
      %exp3A_296 = math.exp %sub3A_295 : vector<16xf32>
      %add3A_297 = arith.addf %add3A_289, %exp3A_296 : vector<16xf32>
      %get3A_298 = arith.constant 2 : i32
      %get3A_299 = arith.index_cast %get3A_298 : i32 to index
      %get3A_300 = arith.index_cast %mul3A_8 : i32 to index
      %get3A_301 = tpu.vector_load %arg7[%get3A_299, %get3A_300] {strides = array<i32>} : memref<16x256xf32, #tpu.memory_space<vmem>>, vector<1x16xf32>,
      %get3A_302 = vector.shape_cast %get3A_301 : vector<1x16xf32> to vector<16xf32>
      %sub3A_303 = arith.subf %get3A_302, %select_n3A_278 : vector<16xf32>
      %exp3A_304 = math.exp %sub3A_303 : vector<16xf32>
      %add3A_305 = arith.addf %add3A_297, %exp3A_304 : vector<16xf32>
      %get3A_306 = arith.constant 3 : i32
      %get3A_307 = arith.index_cast %get3A_306 : i32 to index
      %get3A_308 = arith.index_cast %mul3A_8 : i32 to index
      %get3A_309 = tpu.vector_load %arg7[%get3A_307, %get3A_308] {strides = array<i32>} : memref<16x256xf32, #tpu.memory_space<vmem>>, vector<1x16xf32>,
      %get3A_310 = vector.shape_cast %get3A_309 : vector<1x16xf32> to vector<16xf32>
      %sub3A_311 = arith.subf %get3A_310, %select_n3A_278 : vector<16xf32>
      %exp3A_312 = math.exp %sub3A_311 : vector<16xf32>
      %add3A_313 = arith.addf %add3A_305, %exp3A_312 : vector<16xf32>
      %get3A_314 = arith.constant 4 : i32
      %get3A_315 = arith.index_cast %get3A_314 : i32 to index
      %get3A_316 = arith.index_cast %mul3A_8 : i32 to index
      %get3A_317 = tpu.vector_load %arg7[%get3A_315, %get3A_316] {strides = array<i32>} : memref<16x256xf32, #tpu.memory_space<vmem>>, vector<1x16xf32>,
      %get3A_318 = vector.shape_cast %get3A_317 : vector<1x16xf32> to vector<16xf32>
      %sub3A_319 = arith.subf %get3A_318, %select_n3A_278 : vector<16xf32>
      %exp3A_320 = math.exp %sub3A_319 : vector<16xf32>
      %add3A_321 = arith.addf %add3A_313, %exp3A_320 : vector<16xf32>
      %get3A_322 = arith.constant 5 : i32
      %get3A_323 = arith.index_cast %get3A_322 : i32 to index
      %get3A_324 = arith.index_cast %mul3A_8 : i32 to index
      %get3A_325 = tpu.vector_load %arg7[%get3A_323, %get3A_324] {strides = array<i32>} : memref<16x256xf32, #tpu.memory_space<vmem>>, vector<1x16xf32>,
      %get3A_326 = vector.shape_cast %get3A_325 : vector<1x16xf32> to vector<16xf32>
      %sub3A_327 = arith.subf %get3A_326, %select_n3A_278 : vector<16xf32>
      %exp3A_328 = math.exp %sub3A_327 : vector<16xf32>
      %add3A_329 = arith.addf %add3A_321, %exp3A_328 : vector<16xf32>
      %get3A_330 = arith.constant 6 : i32
      %get3A_331 = arith.index_cast %get3A_330 : i32 to index
      %get3A_332 = arith.index_cast %mul3A_8 : i32 to index
      %get3A_333 = tpu.vector_load %arg7[%get3A_331, %get3A_332] {strides = array<i32>} : memref<16x256xf32, #tpu.memory_space<vmem>>, vector<1x16xf32>,
      %get3A_334 = vector.shape_cast %get3A_333 : vector<1x16xf32> to vector<16xf32>
      %sub3A_335 = arith.subf %get3A_334, %select_n3A_278 : vector<16xf32>
      %exp3A_336 = math.exp %sub3A_335 : vector<16xf32>
      %add3A_337 = arith.addf %add3A_329, %exp3A_336 : vector<16xf32>
      %get3A_338 = arith.constant 7 : i32
      %get3A_339 = arith.index_cast %get3A_338 : i32 to index
      %get3A_340 = arith.index_cast %mul3A_8 : i32 to index
      %get3A_341 = tpu.vector_load %arg7[%get3A_339, %get3A_340] {strides = array<i32>} : memref<16x256xf32, #tpu.memory_space<vmem>>, vector<1x16xf32>,
      %get3A_342 = vector.shape_cast %get3A_341 : vector<1x16xf32> to vector<16xf32>
      %sub3A_343 = arith.subf %get3A_342, %select_n3A_278 : vector<16xf32>
      %exp3A_344 = math.exp %sub3A_343 : vector<16xf32>
      %add3A_345 = arith.addf %add3A_337, %exp3A_344 : vector<16xf32>
      %get3A_346 = arith.constant 8 : i32
      %get3A_347 = arith.index_cast %get3A_346 : i32 to index
      %get3A_348 = arith.index_cast %mul3A_8 : i32 to index
      %get3A_349 = tpu.vector_load %arg7[%get3A_347, %get3A_348] {strides = array<i32>} : memref<16x256xf32, #tpu.memory_space<vmem>>, vector<1x16xf32>,
      %get3A_350 = vector.shape_cast %get3A_349 : vector<1x16xf32> to vector<16xf32>
      %sub3A_351 = arith.subf %get3A_350, %select_n3A_278 : vector<16xf32>
      %exp3A_352 = math.exp %sub3A_351 : vector<16xf32>
      %add3A_353 = arith.addf %add3A_345, %exp3A_352 : vector<16xf32>
      %get3A_354 = arith.constant 9 : i32
      %get3A_355 = arith.index_cast %get3A_354 : i32 to index
      %get3A_356 = arith.index_cast %mul3A_8 : i32 to index
      %get3A_357 = tpu.vector_load %arg7[%get3A_355, %get3A_356] {strides = array<i32>} : memref<16x256xf32, #tpu.memory_space<vmem>>, vector<1x16xf32>,
      %get3A_358 = vector.shape_cast %get3A_357 : vector<1x16xf32> to vector<16xf32>
      %sub3A_359 = arith.subf %get3A_358, %select_n3A_278 : vector<16xf32>
      %exp3A_360 = math.exp %sub3A_359 : vector<16xf32>
      %add3A_361 = arith.addf %add3A_353, %exp3A_360 : vector<16xf32>
      %get3A_362 = arith.constant 10 : i32
      %get3A_363 = arith.index_cast %get3A_362 : i32 to index
      %get3A_364 = arith.index_cast %mul3A_8 : i32 to index
      %get3A_365 = tpu.vector_load %arg7[%get3A_363, %get3A_364] {strides = array<i32>} : memref<16x256xf32, #tpu.memory_space<vmem>>, vector<1x16xf32>,
      %get3A_366 = vector.shape_cast %get3A_365 : vector<1x16xf32> to vector<16xf32>
      %sub3A_367 = arith.subf %get3A_366, %select_n3A_278 : vector<16xf32>
      %exp3A_368 = math.exp %sub3A_367 : vector<16xf32>
      %add3A_369 = arith.addf %add3A_361, %exp3A_368 : vector<16xf32>
      %get3A_370 = arith.constant 11 : i32
      %get3A_371 = arith.index_cast %get3A_370 : i32 to index
      %get3A_372 = arith.index_cast %mul3A_8 : i32 to index
      %get3A_373 = tpu.vector_load %arg7[%get3A_371, %get3A_372] {strides = array<i32>} : memref<16x256xf32, #tpu.memory_space<vmem>>, vector<1x16xf32>,
      %get3A_374 = vector.shape_cast %get3A_373 : vector<1x16xf32> to vector<16xf32>
      %sub3A_375 = arith.subf %get3A_374, %select_n3A_278 : vector<16xf32>
      %exp3A_376 = math.exp %sub3A_375 : vector<16xf32>
      %add3A_377 = arith.addf %add3A_369, %exp3A_376 : vector<16xf32>
      %get3A_378 = arith.constant 12 : i32
      %get3A_379 = arith.index_cast %get3A_378 : i32 to index
      %get3A_380 = arith.index_cast %mul3A_8 : i32 to index
      %get3A_381 = tpu.vector_load %arg7[%get3A_379, %get3A_380] {strides = array<i32>} : memref<16x256xf32, #tpu.memory_space<vmem>>, vector<1x16xf32>,
      %get3A_382 = vector.shape_cast %get3A_381 : vector<1x16xf32> to vector<16xf32>
      %sub3A_383 = arith.subf %get3A_382, %select_n3A_278 : vector<16xf32>
      %exp3A_384 = math.exp %sub3A_383 : vector<16xf32>
      %add3A_385 = arith.addf %add3A_377, %exp3A_384 : vector<16xf32>
      %get3A_386 = arith.constant 13 : i32
      %get3A_387 = arith.index_cast %get3A_386 : i32 to index
      %get3A_388 = arith.index_cast %mul3A_8 : i32 to index
      %get3A_389 = tpu.vector_load %arg7[%get3A_387, %get3A_388] {strides = array<i32>} : memref<16x256xf32, #tpu.memory_space<vmem>>, vector<1x16xf32>,
      %get3A_390 = vector.shape_cast %get3A_389 : vector<1x16xf32> to vector<16xf32>
      %sub3A_391 = arith.subf %get3A_390, %select_n3A_278 : vector<16xf32>
      %exp3A_392 = math.exp %sub3A_391 : vector<16xf32>
      %add3A_393 = arith.addf %add3A_385, %exp3A_392 : vector<16xf32>
      %get3A_394 = arith.constant 14 : i32
      %get3A_395 = arith.index_cast %get3A_394 : i32 to index
      %get3A_396 = arith.index_cast %mul3A_8 : i32 to index
      %get3A_397 = tpu.vector_load %arg7[%get3A_395, %get3A_396] {strides = array<i32>} : memref<16x256xf32, #tpu.memory_space<vmem>>, vector<1x16xf32>,
      %get3A_398 = vector.shape_cast %get3A_397 : vector<1x16xf32> to vector<16xf32>
      %sub3A_399 = arith.subf %get3A_398, %select_n3A_278 : vector<16xf32>
      %exp3A_400 = math.exp %sub3A_399 : vector<16xf32>
      %add3A_401 = arith.addf %add3A_393, %exp3A_400 : vector<16xf32>
      %get3A_402 = arith.constant 15 : i32
      %get3A_403 = arith.index_cast %get3A_402 : i32 to index
      %get3A_404 = arith.index_cast %mul3A_8 : i32 to index
      %get3A_405 = tpu.vector_load %arg7[%get3A_403, %get3A_404] {strides = array<i32>} : memref<16x256xf32, #tpu.memory_space<vmem>>, vector<1x16xf32>,
      %get3A_406 = vector.shape_cast %get3A_405 : vector<1x16xf32> to vector<16xf32>
      %sub3A_407 = arith.subf %get3A_406, %select_n3A_278 : vector<16xf32>
      %exp3A_408 = math.exp %sub3A_407 : vector<16xf32>
      %add3A_409 = arith.addf %add3A_401, %exp3A_408 : vector<16xf32>
      %swap3A = arith.index_cast %mul3A_8 : i32 to index
      %swap3A_410 = tpu.vector_load %arg8[%swap3A] {strides = array<i32>} : memref<256xi32, #tpu.memory_space<vmem>>, vector<16xi32>,
      %swap3A_411 = vector.shape_cast %swap3A_410 : vector<16xi32> to vector<16xi32>
      %swap3A_412 = vector.shape_cast %select_n3A_281 : vector<16xi32> to vector<16xi32>
      tpu.vector_store %arg8[%swap3A], %swap3A_412 {strides = array<i32>} : memref<256xi32, #tpu.memory_space<vmem>>, vector<16xi32>,
      %swap3A_413 = arith.index_cast %mul3A_8 : i32 to index
      %swap3A_414 = tpu.vector_load %arg9[%swap3A_413] {strides = array<i32>} : memref<256xi32, #tpu.memory_space<vmem>>, vector<16xi32>,
      %swap3A_415 = vector.shape_cast %swap3A_414 : vector<16xi32> to vector<16xi32>
      %swap3A_416 = vector.shape_cast %select_n3A_277 : vector<16xi32> to vector<16xi32>
      tpu.vector_store %arg9[%swap3A_413], %swap3A_416 {strides = array<i32>} : memref<256xi32, #tpu.memory_space<vmem>>, vector<16xi32>,
      %div3A = arith.constant 1.000000e+00 : f32
      %div3A_417 = vector.broadcast %div3A : f32 to vector<16xf32>
      %div3A_418 = arith.divf %div3A_417, %add3A_409 : vector<16xf32>
      %swap3A_419 = arith.index_cast %mul3A_8 : i32 to index
      %swap3A_420 = tpu.vector_load %arg10[%swap3A_419] {strides = array<i32>} : memref<256xf32, #tpu.memory_space<vmem>>, vector<16xf32>,
      %swap3A_421 = vector.shape_cast %swap3A_420 : vector<16xf32> to vector<16xf32>
      %swap3A_422 = vector.shape_cast %div3A_418 : vector<16xf32> to vector<16xf32>
      tpu.vector_store %arg10[%swap3A_419], %swap3A_422 {strides = array<i32>} : memref<256xf32, #tpu.memory_space<vmem>>, vector<16xf32>,
      %sub3A_423 = arith.subf %select_n3A_273, %select_n3A_278 : vector<16xf32>
      %exp3A_424 = math.exp %sub3A_423 : vector<16xf32>
      %div3A_425 = arith.divf %exp3A_424, %add3A_409 : vector<16xf32>
      %swap3A_426 = arith.index_cast %mul3A_8 : i32 to index
      %swap3A_427 = tpu.vector_load %arg11[%swap3A_426] {strides = array<i32>} : memref<256xf32, #tpu.memory_space<vmem>>, vector<16xf32>,
      %swap3A_428 = vector.shape_cast %swap3A_427 : vector<16xf32> to vector<16xf32>
      %swap3A_429 = vector.shape_cast %div3A_425 : vector<16xf32> to vector<16xf32>
      tpu.vector_store %arg11[%swap3A_426], %swap3A_429 {strides = array<i32>} : memref<256xf32, #tpu.memory_space<vmem>>, vector<16xf32>,
    }
    %scan3A_5 = arith.constant 16 : i32
    "tpu.region"() ({
      %run_scoped3A = tpu.sem_alloc : memref<!tpu.dma_semaphore, #tpu.memory_space<semaphore_mem>>
      %dma_start3A = arith.constant 0 : i32
      %dma_start3A_6 = tpu.memref_slice %arg3[%add3A, %dma_start3A] : memref<32x256xi32, #tpu.memory_space<hbm>> -> memref<1x256xi32, #tpu.memory_space<hbm>>
      %dma_start3A_7 = tpu.memref_squeeze %dma_start3A_6 : memref<1x256xi32, #tpu.memory_space<hbm>> -> memref<256xi32, #tpu.memory_space<hbm>>
      %dma_start3A_8 = arith.constant 0 : i32
      %dma_start3A_9 = tpu.memref_slice %arg3[%add3A, %dma_start3A_8] : memref<32x256xi32, #tpu.memory_space<hbm>> -> memref<1x256xi32, #tpu.memory_space<hbm>>
      %dma_start3A_10 = tpu.memref_squeeze %dma_start3A_9 : memref<1x256xi32, #tpu.memory_space<hbm>> -> memref<256xi32, #tpu.memory_space<hbm>>
      tpu.enqueue_dma source(%arg8 : memref<256xi32, #tpu.memory_space<vmem>>) target(%dma_start3A_10 : memref<256xi32, #tpu.memory_space<hbm>>) target_semaphore(%run_scoped3A : memref<!tpu.dma_semaphore, #tpu.memory_space<semaphore_mem>>)
      %dma_wait3A = arith.constant 0 : i32
      %dma_wait3A_11 = tpu.memref_slice %arg3[%add3A, %dma_wait3A] : memref<32x256xi32, #tpu.memory_space<hbm>> -> memref<1x256xi32, #tpu.memory_space<hbm>>
      %dma_wait3A_12 = tpu.memref_squeeze %dma_wait3A_11 : memref<1x256xi32, #tpu.memory_space<hbm>> -> memref<256xi32, #tpu.memory_space<hbm>>
      %dma_wait3A_13 = arith.constant 0 : i32
      %dma_wait3A_14 = tpu.memref_slice %arg3[%add3A, %dma_wait3A_13] : memref<32x256xi32, #tpu.memory_space<hbm>> -> memref<1x256xi32, #tpu.memory_space<hbm>>
      %dma_wait3A_15 = tpu.memref_squeeze %dma_wait3A_14 : memref<1x256xi32, #tpu.memory_space<hbm>> -> memref<256xi32, #tpu.memory_space<hbm>>
      tpu.wait_dma2 semaphore(%run_scoped3A : memref<!tpu.dma_semaphore, #tpu.memory_space<semaphore_mem>>) src(%arg8 : memref<256xi32, #tpu.memory_space<vmem>>) dst(%dma_wait3A_15 : memref<256xi32, #tpu.memory_space<hbm>>)
      tpu.yield
    }) : () -> ()
    "tpu.region"() ({
      %run_scoped3A = tpu.sem_alloc : memref<!tpu.dma_semaphore, #tpu.memory_space<semaphore_mem>>
      %dma_start3A = arith.constant 0 : i32
      %dma_start3A_6 = tpu.memref_slice %arg4[%add3A, %dma_start3A] : memref<32x256xi32, #tpu.memory_space<hbm>> -> memref<1x256xi32, #tpu.memory_space<hbm>>
      %dma_start3A_7 = tpu.memref_squeeze %dma_start3A_6 : memref<1x256xi32, #tpu.memory_space<hbm>> -> memref<256xi32, #tpu.memory_space<hbm>>
      %dma_start3A_8 = arith.constant 0 : i32
      %dma_start3A_9 = tpu.memref_slice %arg4[%add3A, %dma_start3A_8] : memref<32x256xi32, #tpu.memory_space<hbm>> -> memref<1x256xi32, #tpu.memory_space<hbm>>
      %dma_start3A_10 = tpu.memref_squeeze %dma_start3A_9 : memref<1x256xi32, #tpu.memory_space<hbm>> -> memref<256xi32, #tpu.memory_space<hbm>>
      tpu.enqueue_dma source(%arg9 : memref<256xi32, #tpu.memory_space<vmem>>) target(%dma_start3A_10 : memref<256xi32, #tpu.memory_space<hbm>>) target_semaphore(%run_scoped3A : memref<!tpu.dma_semaphore, #tpu.memory_space<semaphore_mem>>)
      %dma_wait3A = arith.constant 0 : i32
      %dma_wait3A_11 = tpu.memref_slice %arg4[%add3A, %dma_wait3A] : memref<32x256xi32, #tpu.memory_space<hbm>> -> memref<1x256xi32, #tpu.memory_space<hbm>>
      %dma_wait3A_12 = tpu.memref_squeeze %dma_wait3A_11 : memref<1x256xi32, #tpu.memory_space<hbm>> -> memref<256xi32, #tpu.memory_space<hbm>>
      %dma_wait3A_13 = arith.constant 0 : i32
      %dma_wait3A_14 = tpu.memref_slice %arg4[%add3A, %dma_wait3A_13] : memref<32x256xi32, #tpu.memory_space<hbm>> -> memref<1x256xi32, #tpu.memory_space<hbm>>
      %dma_wait3A_15 = tpu.memref_squeeze %dma_wait3A_14 : memref<1x256xi32, #tpu.memory_space<hbm>> -> memref<256xi32, #tpu.memory_space<hbm>>
      tpu.wait_dma2 semaphore(%run_scoped3A : memref<!tpu.dma_semaphore, #tpu.memory_space<semaphore_mem>>) src(%arg9 : memref<256xi32, #tpu.memory_space<vmem>>) dst(%dma_wait3A_15 : memref<256xi32, #tpu.memory_space<hbm>>)
      tpu.yield
    }) : () -> ()
    "tpu.region"() ({
      %run_scoped3A = tpu.sem_alloc : memref<!tpu.dma_semaphore, #tpu.memory_space<semaphore_mem>>
      %dma_start3A = arith.constant 0 : i32
      %dma_start3A_6 = tpu.memref_slice %arg5[%add3A, %dma_start3A] : memref<32x256xf32, #tpu.memory_space<hbm>> -> memref<1x256xf32, #tpu.memory_space<hbm>>
      %dma_start3A_7 = tpu.memref_squeeze %dma_start3A_6 : memref<1x256xf32, #tpu.memory_space<hbm>> -> memref<256xf32, #tpu.memory_space<hbm>>
      %dma_start3A_8 = arith.constant 0 : i32
      %dma_start3A_9 = tpu.memref_slice %arg5[%add3A, %dma_start3A_8] : memref<32x256xf32, #tpu.memory_space<hbm>> -> memref<1x256xf32, #tpu.memory_space<hbm>>
      %dma_start3A_10 = tpu.memref_squeeze %dma_start3A_9 : memref<1x256xf32, #tpu.memory_space<hbm>> -> memref<256xf32, #tpu.memory_space<hbm>>
      tpu.enqueue_dma source(%arg10 : memref<256xf32, #tpu.memory_space<vmem>>) target(%dma_start3A_10 : memref<256xf32, #tpu.memory_space<hbm>>) target_semaphore(%run_scoped3A : memref<!tpu.dma_semaphore, #tpu.memory_space<semaphore_mem>>)
      %dma_wait3A = arith.constant 0 : i32
      %dma_wait3A_11 = tpu.memref_slice %arg5[%add3A, %dma_wait3A] : memref<32x256xf32, #tpu.memory_space<hbm>> -> memref<1x256xf32, #tpu.memory_space<hbm>>
      %dma_wait3A_12 = tpu.memref_squeeze %dma_wait3A_11 : memref<1x256xf32, #tpu.memory_space<hbm>> -> memref<256xf32, #tpu.memory_space<hbm>>
      %dma_wait3A_13 = arith.constant 0 : i32
      %dma_wait3A_14 = tpu.memref_slice %arg5[%add3A, %dma_wait3A_13] : memref<32x256xf32, #tpu.memory_space<hbm>> -> memref<1x256xf32, #tpu.memory_space<hbm>>
      %dma_wait3A_15 = tpu.memref_squeeze %dma_wait3A_14 : memref<1x256xf32, #tpu.memory_space<hbm>> -> memref<256xf32, #tpu.memory_space<hbm>>
      tpu.wait_dma2 semaphore(%run_scoped3A : memref<!tpu.dma_semaphore, #tpu.memory_space<semaphore_mem>>) src(%arg10 : memref<256xf32, #tpu.memory_space<vmem>>) dst(%dma_wait3A_15 : memref<256xf32, #tpu.memory_space<hbm>>)
      tpu.yield
    }) : () -> ()
    "tpu.region"() ({
      %run_scoped3A = tpu.sem_alloc : memref<!tpu.dma_semaphore, #tpu.memory_space<semaphore_mem>>
      %dma_start3A = arith.constant 0 : i32
      %dma_start3A_6 = tpu.memref_slice %arg6[%add3A, %dma_start3A] : memref<32x256xf32, #tpu.memory_space<hbm>> -> memref<1x256xf32, #tpu.memory_space<hbm>>
      %dma_start3A_7 = tpu.memref_squeeze %dma_start3A_6 : memref<1x256xf32, #tpu.memory_space<hbm>> -> memref<256xf32, #tpu.memory_space<hbm>>
      %dma_start3A_8 = arith.constant 0 : i32
      %dma_start3A_9 = tpu.memref_slice %arg6[%add3A, %dma_start3A_8] : memref<32x256xf32, #tpu.memory_space<hbm>> -> memref<1x256xf32, #tpu.memory_space<hbm>>
      %dma_start3A_10 = tpu.memref_squeeze %dma_start3A_9 : memref<1x256xf32, #tpu.memory_space<hbm>> -> memref<256xf32, #tpu.memory_space<hbm>>
      tpu.enqueue_dma source(%arg11 : memref<256xf32, #tpu.memory_space<vmem>>) target(%dma_start3A_10 : memref<256xf32, #tpu.memory_space<hbm>>) target_semaphore(%run_scoped3A : memref<!tpu.dma_semaphore, #tpu.memory_space<semaphore_mem>>)
      %dma_wait3A = arith.constant 0 : i32
      %dma_wait3A_11 = tpu.memref_slice %arg6[%add3A, %dma_wait3A] : memref<32x256xf32, #tpu.memory_space<hbm>> -> memref<1x256xf32, #tpu.memory_space<hbm>>
      %dma_wait3A_12 = tpu.memref_squeeze %dma_wait3A_11 : memref<1x256xf32, #tpu.memory_space<hbm>> -> memref<256xf32, #tpu.memory_space<hbm>>
      %dma_wait3A_13 = arith.constant 0 : i32
      %dma_wait3A_14 = tpu.memref_slice %arg6[%add3A, %dma_wait3A_13] : memref<32x256xf32, #tpu.memory_space<hbm>> -> memref<1x256xf32, #tpu.memory_space<hbm>>
      %dma_wait3A_15 = tpu.memref_squeeze %dma_wait3A_14 : memref<1x256xf32, #tpu.memory_space<hbm>> -> memref<256xf32, #tpu.memory_space<hbm>>
      tpu.wait_dma2 semaphore(%run_scoped3A : memref<!tpu.dma_semaphore, #tpu.memory_space<semaphore_mem>>) src(%arg11 : memref<256xf32, #tpu.memory_space<vmem>>) dst(%dma_wait3A_15 : memref<256xf32, #tpu.memory_space<hbm>>)
      tpu.yield
    }) : () -> ()
    return
  }
}

module attributes {stable_mosaic.version = 14 : i64} {
  func.func @_gate_kernel(%arg0: i32, %arg1: memref<1024x2048xf32, #tpu.memory_space<vmem>>, %arg2: memref<16x2048xf32, #tpu.memory_space<vmem>>, %arg3: memref<4x16x256xf32, #tpu.memory_space<vmem>>, %arg4: memref<1xf32, #tpu.memory_space<smem>>) attributes {dimension_semantics = [#tpu.dimension_semantics<arbitrary>], iteration_bounds = array<i64: 8>, scalar_prefetch = 0 : i64, scratch_operands = 0 : i64, tpu.core_type = #tpu.core_type<tc>, window_params = [{transform_indices = @transform_0, window_bounds = array<i64: 1024, 2048>}, {pipeline_mode = #tpu.pipeline_mode<synchronous>, transform_indices = @transform_1, window_bounds = array<i64: 16, 2048>}, {transform_indices = @transform_2, window_bounds = array<i64: 4, 16, 256>}, {transform_indices = @transform_3, window_bounds = array<i64: 1>}]} {
    %get3A = arith.constant 0 : index
    %get3A_0 = arith.constant 0 : index
    %get3A_1 = vector.load %arg2[%get3A, %get3A_0] : memref<16x2048xf32, #tpu.memory_space<vmem>>, vector<16x2048xf32>
    %get3A_2 = arith.constant 0 : index
    %get3A_3 = arith.constant 0 : index
    %get3A_4 = vector.load %arg1[%get3A_2, %get3A_3] : memref<1024x2048xf32, #tpu.memory_space<vmem>>, vector<1024x2048xf32>
    %dot_general3A = arith.constant dense<0.000000e+00> : vector<16x1024xf32>
    %dot_general3A_5 = tpu.matmul %get3A_1, %get3A_4, %dot_general3A {dimension_numbers = #tpu.dot_dimension_numbers<[1], [1], [0], [0], [0, 0, 1, 0], [], []>, transpose_lhs_hint = false} : vector<16x2048xf32>, vector<1024x2048xf32>, vector<16x1024xf32> -> vector<16x1024xf32>
    %mul3A = arith.mulf %dot_general3A_5, %dot_general3A_5 : vector<16x1024xf32>
    %reduce_sum3A = vector.shape_cast %mul3A : vector<16x1024xf32> to vector<1x16x1024xf32>
    %reduce_sum3A_6 = arith.constant dense<0.000000e+00> : vector<1xf32>
    %reduce_sum3A_7 = vector.multi_reduction <add>, %reduce_sum3A, %reduce_sum3A_6 [1, 2] : vector<1x16x1024xf32> to vector<1xf32>
    %reduce_sum3A_8 = vector.shape_cast %reduce_sum3A_7 : vector<1xf32> to vector<1x1x1xf32>
    %reduce_sum3A_9 = vector.extract %reduce_sum3A_8[0, 0, 0] : f32 from vector<1x1x1xf32>
    %eq3A = arith.constant 0 : i32
    %eq3A_10 = arith.cmpi eq, %arg0, %eq3A : i32
    %convert_element_type3A = arith.extui %eq3A_10 : i1 to i32
    %cond3A = arith.constant 0 : i32
    %cond3A_11 = arith.cmpi ne, %convert_element_type3A, %cond3A : i32
    scf.if %cond3A_11 {
      %swap3A_42 = arith.constant 0.000000e+00 : f32
      %swap3A_43 = arith.constant 0 : index
      %swap3A_44 = memref.load %arg4[%swap3A_43] : memref<1xf32, #tpu.memory_space<smem>>
      memref.store %swap3A_42, %arg4[%swap3A_43] : memref<1xf32, #tpu.memory_space<smem>>
    } else {
    }
    %get3A_12 = arith.constant 0 : index
    %get3A_13 = memref.load %arg4[%get3A_12] : memref<1xf32, #tpu.memory_space<smem>>
    %add3A = arith.addf %get3A_13, %reduce_sum3A_9 : f32
    %swap3A = arith.constant 0 : index
    %swap3A_14 = memref.load %arg4[%swap3A] : memref<1xf32, #tpu.memory_space<smem>>
    memref.store %add3A, %arg4[%swap3A] : memref<1xf32, #tpu.memory_space<smem>>
    %slice3A = vector.extract_strided_slice %dot_general3A_5 {offsets = [0, 0], sizes = [16, 256], strides = [1, 1]} : vector<16x1024xf32> to vector<16x256xf32>
    %swap3A_15 = arith.constant 0 : index
    %swap3A_16 = arith.constant 0 : index
    %swap3A_17 = arith.constant 0 : index
    %swap3A_18 = vector.load %arg3[%swap3A_15, %swap3A_16, %swap3A_17] : memref<4x16x256xf32, #tpu.memory_space<vmem>>, vector<1x16x256xf32>
    %swap3A_19 = vector.shape_cast %swap3A_18 : vector<1x16x256xf32> to vector<16x256xf32>
    %swap3A_20 = vector.shape_cast %slice3A : vector<16x256xf32> to vector<1x16x256xf32>
    tpu.vector_store %arg3[%swap3A_15, %swap3A_16, %swap3A_17], %swap3A_20 {strides = array<i32>} : memref<4x16x256xf32, #tpu.memory_space<vmem>>, vector<1x16x256xf32>,
    %slice3A_21 = vector.extract_strided_slice %dot_general3A_5 {offsets = [0, 256], sizes = [16, 256], strides = [1, 1]} : vector<16x1024xf32> to vector<16x256xf32>
    %swap3A_22 = arith.constant 1 : index
    %swap3A_23 = arith.constant 0 : index
    %swap3A_24 = arith.constant 0 : index
    %swap3A_25 = vector.load %arg3[%swap3A_22, %swap3A_23, %swap3A_24] : memref<4x16x256xf32, #tpu.memory_space<vmem>>, vector<1x16x256xf32>
    %swap3A_26 = vector.shape_cast %swap3A_25 : vector<1x16x256xf32> to vector<16x256xf32>
    %swap3A_27 = vector.shape_cast %slice3A_21 : vector<16x256xf32> to vector<1x16x256xf32>
    tpu.vector_store %arg3[%swap3A_22, %swap3A_23, %swap3A_24], %swap3A_27 {strides = array<i32>} : memref<4x16x256xf32, #tpu.memory_space<vmem>>, vector<1x16x256xf32>,
    %slice3A_28 = vector.extract_strided_slice %dot_general3A_5 {offsets = [0, 512], sizes = [16, 256], strides = [1, 1]} : vector<16x1024xf32> to vector<16x256xf32>
    %swap3A_29 = arith.constant 2 : index
    %swap3A_30 = arith.constant 0 : index
    %swap3A_31 = arith.constant 0 : index
    %swap3A_32 = vector.load %arg3[%swap3A_29, %swap3A_30, %swap3A_31] : memref<4x16x256xf32, #tpu.memory_space<vmem>>, vector<1x16x256xf32>
    %swap3A_33 = vector.shape_cast %swap3A_32 : vector<1x16x256xf32> to vector<16x256xf32>
    %swap3A_34 = vector.shape_cast %slice3A_28 : vector<16x256xf32> to vector<1x16x256xf32>
    tpu.vector_store %arg3[%swap3A_29, %swap3A_30, %swap3A_31], %swap3A_34 {strides = array<i32>} : memref<4x16x256xf32, #tpu.memory_space<vmem>>, vector<1x16x256xf32>,
    %slice3A_35 = vector.extract_strided_slice %dot_general3A_5 {offsets = [0, 768], sizes = [16, 256], strides = [1, 1]} : vector<16x1024xf32> to vector<16x256xf32>
    %swap3A_36 = arith.constant 3 : index
    %swap3A_37 = arith.constant 0 : index
    %swap3A_38 = arith.constant 0 : index
    %swap3A_39 = vector.load %arg3[%swap3A_36, %swap3A_37, %swap3A_38] : memref<4x16x256xf32, #tpu.memory_space<vmem>>, vector<1x16x256xf32>
    %swap3A_40 = vector.shape_cast %swap3A_39 : vector<1x16x256xf32> to vector<16x256xf32>
    %swap3A_41 = vector.shape_cast %slice3A_35 : vector<16x256xf32> to vector<1x16x256xf32>
    tpu.vector_store %arg3[%swap3A_36, %swap3A_37, %swap3A_38], %swap3A_41 {strides = array<i32>} : memref<4x16x256xf32, #tpu.memory_space<vmem>>, vector<1x16x256xf32>,
    return
  }
  func.func @transform_0(%arg0: i32) -> (i32, i32) {
    %add3A = arith.constant 8 : i32
    %add3A_0 = arith.addi %add3A, %arg0 : i32
    %c0_i32 = arith.constant 0 : i32
    %c0_i32_1 = arith.constant 0 : i32
    return %add3A_0, %c0_i32 : i32, i32
  }
  func.func @transform_1(%arg0: i32) -> (i32, i32) {
    %c0_i32 = arith.constant 0 : i32
    %c0_i32_0 = arith.constant 0 : i32
    %c0_i32_1 = arith.constant 0 : i32
    return %c0_i32, %c0_i32_0 : i32, i32
  }
  func.func @transform_2(%arg0: i32) -> (i32, i32, i32) {
    %c0_i32 = arith.constant 0 : i32
    %c0_i32_0 = arith.constant 0 : i32
    %c0_i32_1 = arith.constant 0 : i32
    return %arg0, %c0_i32, %c0_i32_0 : i32, i32, i32
  }
  func.func @transform_3(%arg0: i32) -> i32 {
    %c0_i32 = arith.constant 0 : i32
    %c0_i32_0 = arith.constant 0 : i32
    return %c0_i32 : i32
  }
}

module attributes {stable_mosaic.version = 14 : i64} {
  func.func @_gate_kernel(%arg0: i32, %arg1: memref<1024x2048xf32, #tpu.memory_space<vmem>>, %arg2: memref<16x2048xf32, #tpu.memory_space<vmem>>, %arg3: memref<4x16x256xf32, #tpu.memory_space<vmem>>, %arg4: memref<1xf32, #tpu.memory_space<smem>>) attributes {dimension_semantics = [#tpu.dimension_semantics<arbitrary>], iteration_bounds = array<i64: 8>, scalar_prefetch = 0 : i64, scratch_operands = 0 : i64, tpu.core_type = #tpu.core_type<tc>, window_params = [{transform_indices = @transform_0, window_bounds = array<i64: 1024, 2048>}, {pipeline_mode = #tpu.pipeline_mode<synchronous>, transform_indices = @transform_1, window_bounds = array<i64: 16, 2048>}, {transform_indices = @transform_2, window_bounds = array<i64: 4, 16, 256>}, {transform_indices = @transform_3, window_bounds = array<i64: 1>}]} {
    %get3A = arith.constant 0 : index
    %get3A_0 = arith.constant 0 : index
    %get3A_1 = vector.load %arg2[%get3A, %get3A_0] : memref<16x2048xf32, #tpu.memory_space<vmem>>, vector<16x2048xf32>
    %get3A_2 = arith.constant 0 : index
    %get3A_3 = arith.constant 0 : index
    %get3A_4 = vector.load %arg1[%get3A_2, %get3A_3] : memref<1024x2048xf32, #tpu.memory_space<vmem>>, vector<1024x2048xf32>
    %dot_general3A = arith.constant dense<0.000000e+00> : vector<16x1024xf32>
    %dot_general3A_5 = tpu.matmul %get3A_1, %get3A_4, %dot_general3A {dimension_numbers = #tpu.dot_dimension_numbers<[1], [1], [0], [0], [0, 0, 1, 0], [], []>, transpose_lhs_hint = false} : vector<16x2048xf32>, vector<1024x2048xf32>, vector<16x1024xf32> -> vector<16x1024xf32>
    %mul3A = arith.mulf %dot_general3A_5, %dot_general3A_5 : vector<16x1024xf32>
    %reduce_sum3A = vector.shape_cast %mul3A : vector<16x1024xf32> to vector<1x16x1024xf32>
    %reduce_sum3A_6 = arith.constant dense<0.000000e+00> : vector<1xf32>
    %reduce_sum3A_7 = vector.multi_reduction <add>, %reduce_sum3A, %reduce_sum3A_6 [1, 2] : vector<1x16x1024xf32> to vector<1xf32>
    %reduce_sum3A_8 = vector.shape_cast %reduce_sum3A_7 : vector<1xf32> to vector<1x1x1xf32>
    %reduce_sum3A_9 = vector.extract %reduce_sum3A_8[0, 0, 0] : f32 from vector<1x1x1xf32>
    %eq3A = arith.constant 0 : i32
    %eq3A_10 = arith.cmpi eq, %arg0, %eq3A : i32
    %convert_element_type3A = arith.extui %eq3A_10 : i1 to i32
    %cond3A = arith.constant 0 : i32
    %cond3A_11 = arith.cmpi ne, %convert_element_type3A, %cond3A : i32
    scf.if %cond3A_11 {
      %swap3A_42 = arith.constant 0.000000e+00 : f32
      %swap3A_43 = arith.constant 0 : index
      %swap3A_44 = memref.load %arg4[%swap3A_43] : memref<1xf32, #tpu.memory_space<smem>>
      memref.store %swap3A_42, %arg4[%swap3A_43] : memref<1xf32, #tpu.memory_space<smem>>
    } else {
    }
    %get3A_12 = arith.constant 0 : index
    %get3A_13 = memref.load %arg4[%get3A_12] : memref<1xf32, #tpu.memory_space<smem>>
    %add3A = arith.addf %get3A_13, %reduce_sum3A_9 : f32
    %swap3A = arith.constant 0 : index
    %swap3A_14 = memref.load %arg4[%swap3A] : memref<1xf32, #tpu.memory_space<smem>>
    memref.store %add3A, %arg4[%swap3A] : memref<1xf32, #tpu.memory_space<smem>>
    %slice3A = vector.extract_strided_slice %dot_general3A_5 {offsets = [0, 0], sizes = [16, 256], strides = [1, 1]} : vector<16x1024xf32> to vector<16x256xf32>
    %swap3A_15 = arith.constant 0 : index
    %swap3A_16 = arith.constant 0 : index
    %swap3A_17 = arith.constant 0 : index
    %swap3A_18 = vector.load %arg3[%swap3A_15, %swap3A_16, %swap3A_17] : memref<4x16x256xf32, #tpu.memory_space<vmem>>, vector<1x16x256xf32>
    %swap3A_19 = vector.shape_cast %swap3A_18 : vector<1x16x256xf32> to vector<16x256xf32>
    %swap3A_20 = vector.shape_cast %slice3A : vector<16x256xf32> to vector<1x16x256xf32>
    tpu.vector_store %arg3[%swap3A_15, %swap3A_16, %swap3A_17], %swap3A_20 {strides = array<i32>} : memref<4x16x256xf32, #tpu.memory_space<vmem>>, vector<1x16x256xf32>,
    %slice3A_21 = vector.extract_strided_slice %dot_general3A_5 {offsets = [0, 256], sizes = [16, 256], strides = [1, 1]} : vector<16x1024xf32> to vector<16x256xf32>
    %swap3A_22 = arith.constant 1 : index
    %swap3A_23 = arith.constant 0 : index
    %swap3A_24 = arith.constant 0 : index
    %swap3A_25 = vector.load %arg3[%swap3A_22, %swap3A_23, %swap3A_24] : memref<4x16x256xf32, #tpu.memory_space<vmem>>, vector<1x16x256xf32>
    %swap3A_26 = vector.shape_cast %swap3A_25 : vector<1x16x256xf32> to vector<16x256xf32>
    %swap3A_27 = vector.shape_cast %slice3A_21 : vector<16x256xf32> to vector<1x16x256xf32>
    tpu.vector_store %arg3[%swap3A_22, %swap3A_23, %swap3A_24], %swap3A_27 {strides = array<i32>} : memref<4x16x256xf32, #tpu.memory_space<vmem>>, vector<1x16x256xf32>,
    %slice3A_28 = vector.extract_strided_slice %dot_general3A_5 {offsets = [0, 512], sizes = [16, 256], strides = [1, 1]} : vector<16x1024xf32> to vector<16x256xf32>
    %swap3A_29 = arith.constant 2 : index
    %swap3A_30 = arith.constant 0 : index
    %swap3A_31 = arith.constant 0 : index
    %swap3A_32 = vector.load %arg3[%swap3A_29, %swap3A_30, %swap3A_31] : memref<4x16x256xf32, #tpu.memory_space<vmem>>, vector<1x16x256xf32>
    %swap3A_33 = vector.shape_cast %swap3A_32 : vector<1x16x256xf32> to vector<16x256xf32>
    %swap3A_34 = vector.shape_cast %slice3A_28 : vector<16x256xf32> to vector<1x16x256xf32>
    tpu.vector_store %arg3[%swap3A_29, %swap3A_30, %swap3A_31], %swap3A_34 {strides = array<i32>} : memref<4x16x256xf32, #tpu.memory_space<vmem>>, vector<1x16x256xf32>,
    %slice3A_35 = vector.extract_strided_slice %dot_general3A_5 {offsets = [0, 768], sizes = [16, 256], strides = [1, 1]} : vector<16x1024xf32> to vector<16x256xf32>
    %swap3A_36 = arith.constant 3 : index
    %swap3A_37 = arith.constant 0 : index
    %swap3A_38 = arith.constant 0 : index
    %swap3A_39 = vector.load %arg3[%swap3A_36, %swap3A_37, %swap3A_38] : memref<4x16x256xf32, #tpu.memory_space<vmem>>, vector<1x16x256xf32>
    %swap3A_40 = vector.shape_cast %swap3A_39 : vector<1x16x256xf32> to vector<16x256xf32>
    %swap3A_41 = vector.shape_cast %slice3A_35 : vector<16x256xf32> to vector<1x16x256xf32>
    tpu.vector_store %arg3[%swap3A_36, %swap3A_37, %swap3A_38], %swap3A_41 {strides = array<i32>} : memref<4x16x256xf32, #tpu.memory_space<vmem>>, vector<1x16x256xf32>,
    return
  }
  func.func @transform_0(%arg0: i32) -> (i32, i32) {
    %add3A = arith.constant 0 : i32
    %add3A_0 = arith.addi %add3A, %arg0 : i32
    %c0_i32 = arith.constant 0 : i32
    %c0_i32_1 = arith.constant 0 : i32
    return %add3A_0, %c0_i32 : i32, i32
  }
  func.func @transform_1(%arg0: i32) -> (i32, i32) {
    %c0_i32 = arith.constant 0 : i32
    %c0_i32_0 = arith.constant 0 : i32
    %c0_i32_1 = arith.constant 0 : i32
    return %c0_i32, %c0_i32_0 : i32, i32
  }
  func.func @transform_2(%arg0: i32) -> (i32, i32, i32) {
    %c0_i32 = arith.constant 0 : i32
    %c0_i32_0 = arith.constant 0 : i32
    %c0_i32_1 = arith.constant 0 : i32
    return %arg0, %c0_i32, %c0_i32_0 : i32, i32, i32
  }
  func.func @transform_3(%arg0: i32) -> i32 {
    %c0_i32 = arith.constant 0 : i32
    %c0_i32_0 = arith.constant 0 : i32
    return %c0_i32 : i32
  }
}

</mosaic_0001>

<sc_bundles>
// kernel: kernel.6.cloned.1.call-start
scs
__scs_entry_jumppad:
0x0: {  	(pc) =	sbr.rel $0x88, $3  }
0x1: {  	(tag) =	ssettag $0x0;
	lr =	simm.s32 $0x1  }
0x2: {  	[smem:$0x3F9F] =	sst lr;
	_ =	strace $0xD0000000  }
0x3: {  	_ = 	snop  }
0x4: {  	_ = 	snop  }
0x5: {  	_ = 	snop  }
0x6: {  	_ = 	snop  }
0x7: {  	_ = 	snop  }
__scs_overlays_trampoline_lowered:
0x8: {  	[smem:$0x3FAE] =	sst s0  }
0x9: {  	[smem:$0x3FAF] =	sst s1  }
0xa: {  	[smem:$0x3FB0] =	sst s2  }
0xb: {  	[smem:$0x3FB1] =	sst s3  }
0xc: {  	[smem:$0x3FB2] =	sst s4  }
0xd: {  	[smem:$0x3FB3] =	sst s5  }
0xe: {  	[smem:$0x3FB4] =	sst s6  }
0xf: {  	[smem:$0x3FB5] =	sst s7  }
0x10: {  	[smem:$0x3FB6] =	sst s8  }
0x11: {  	[smem:$0x3FB7] =	sst s9;
	s0 =	simm.s32 @!p0 $0x0  }
0x12: {  	s1 =	sld [smem:$0x3F9D];
	s0 =	simm.s32 @p0 $0x1  }
0x13: {  	[smem:$0x3FB8] =	sst s0;
	s0 =	simm.s32 @!p1 $0x0  }
0x14: {  	s2 =	sld [smem:$0x3F9C];
	s0 =	simm.s32 @p1 $0x1  }
0x15: {  	[smem:$0x3FB9] =	sst s0;
	s0 =	simm.s32 @!p2 $0x0  }
0x16: {  	s3 =	sld [smem:$0x3FDB];
	s0 =	simm.s32 @p2 $0x1  }
0x17: {  	s4 =	simm.s32 $0x1BF5;
	[smem:$0x3FBB] =	sst s0  }
0x18: {  	s0 =	sld [smem:$0x3F9E];
	_ =	swait.ge [sflag:s4], $0x0  }
0x19: {  	s7 =	sld [smem:$0x3F9F]  }
0x1a: {  	s8 =	sadd.s32 $0xFFFFE003, lr  }
0x1b: {  	s9 =	sadd.s32 $0xFFFFFEF7, lr;
	s5 =	simm.s32 $0xFFFFFFFF;
	p2 =	slt.u32 s8, $0xFFFFF086  }
0x1c: {  	p1 =	slt.u32 s9, $0xF7A;
	s5 =	simm.s32 @!p2 $0x0  }
0x1d: {  	s5 =	simm.s32 @p1 $0x1;
	p0 =	seq.s32 s7, s2  }
0x1e: {  	s7 =	smul.u32 @!p0 $0xF7A, s2;
	p2 =	seq.s32 @!p0 s5, $0x0  }
0x1f: {  	s9 =	smul.u32 $0xF7A, s1;
	s8 =	simm.s32 @!p0 $0x1BF5;
	p2 =	por !p2, p0  }
0x20: {  	[sflag:s8] =	ssyncset.s32 @!p0 $0xFFFFF086;
	s6 =	sadd.s32 @!p0 s3, s7;
	s7 =	simm.s32 @!p0 $0x108  }
0x21: {  	s3 =	sadd.s32 s3, s9;
	s6 =	sadd.s32 @!p0 $0x88, s6;
	s7 =	simm.s32 @p2 $0x1082  }
0x22: {  	[simem:s7], [sflag:s8] =	dma.local @!p0 [hbm:s6], $0xF7A  }
0x23: {  	s9 =	sor.u32 $0xD0000000, s2;
	s6 =	simm.s32 $0x108;
	_ =	swait.ge @!p0 [sflag:s8], $0x0  }
0x24: {  	s3 =	sadd.s32 $0x88, s3;
	s6 =	simm.s32 @!p1 $0x1082;
	[sflag:s4] =	ssyncset.s32 $0xFFFFF086  }
0x25: {  	[simem:s6], [sflag:s4] =	dma.local [hbm:s3], $0xF7A  }
0x26: {  	[smem:$0x3F9F] =	sst s1;
	(tag) =	ssettag s2;
	_ =	strace s9  }
0x27: {  	s1 =	sld [smem:$0x3FAF]  }
0x28: {  	s2 =	sld [smem:$0x3FB0]  }
0x29: {  	s4 =	sld [smem:$0x3FB2]  }
0x2a: {  	p0 =	seq.s32 s5, $0x0;
	s5 =	sld [smem:$0x3FB3]  }
0x2b: {  	s6 =	sld [smem:$0x3FB4]  }
0x2c: {  	s7 =	sld [smem:$0x3FB5]  }
0x2d: {  	s3 =	simm.s32 $0x108;
	s8 =	sld [smem:$0x3FB6]  }
0x2e: {  	s3 =	simm.s32 @!p0 $0x1082;
	s9 =	sld [smem:$0x3FB7]  }
0x2f: {  	lr =	sadd.s32 s0, s3;
	s0 =	sld [smem:$0x3FAE]  }
0x30: {  	s3 =	sld [smem:$0x3FB1]  }
0x31: {  	[smem:$0x3FBA] =	sst s10  }
0x32: {  	s10 =	sld [smem:$0x3FB8];
	_ =	sdelay $0x3  }
0x33: {  	p0 =	seq.s32 s10, $0x1;
	s10 =	sld [smem:$0x3FBA];
	_ =	sdelay $0x3  }
0x34: {  	[smem:$0x3FBA] =	sst s10  }
0x35: {  	s10 =	sld [smem:$0x3FB9];
	_ =	sdelay $0x3  }
0x36: {  	p1 =	seq.s32 s10, $0x1;
	s10 =	sld [smem:$0x3FBA];
	_ =	sdelay $0x3  }
0x37: {  	[smem:$0x3FBA] =	sst s10  }
0x38: {  	s10 =	sld [smem:$0x3FBB]  }
0x39: {  	_ = 	snop;
	(pc) =	sbr.ind lr, $3  }
0x3a: {  	_ = 	snop  }
0x3b: {  	_ = 	snop  }
0x3c: {  	p2 =	seq.s32 s10, $0x1;
	s10 =	sld [smem:$0x3FBA]  }
0x3d: {  	_ =	shalt  }
0x3e: {  	_ =	shalt  }
0x3f: {  	_ =	shalt  }
0x40: {  	_ =	shalt  }
0x41: {  	_ =	shalt  }
0x42: {  	_ =	shalt  }
0x43: {  	_ =	shalt  }
0x44: {  	_ =	shalt  }
0x45: {  	_ =	shalt  }
0x46: {  	_ =	shalt  }
0x47: {  	_ =	shalt  }
0x48: {  	_ =	shalt  }
0x49: {  	_ =	shalt  }
0x4a: {  	_ =	shalt  }
0x4b: {  	_ =	shalt  }
0x4c: {  	_ =	shalt  }
0x4d: {  	_ =	shalt  }
0x4e: {  	_ =	shalt  }
0x4f: {  	_ =	shalt  }
0x50: {  	_ =	shalt  }
0x51: {  	_ =	shalt  }
0x52: {  	_ =	shalt  }
0x53: {  	_ =	shalt  }
0x54: {  	_ =	shalt  }
0x55: {  	_ =	shalt  }
0x56: {  	_ =	shalt  }
0x57: {  	_ =	shalt  }
0x58: {  	_ =	shalt  }
0x59: {  	_ =	shalt  }
0x5a: {  	_ =	shalt  }
0x5b: {  	_ =	shalt  }
0x5c: {  	_ =	shalt  }
0x5d: {  	_ =	shalt  }
0x5e: {  	_ =	shalt  }
0x5f: {  	_ =	shalt  }
0x60: {  	_ =	shalt  }
0x61: {  	_ =	shalt  }
0x62: {  	_ =	shalt  }
0x63: {  	_ =	shalt  }
0x64: {  	_ =	shalt  }
0x65: {  	_ =	shalt  }
0x66: {  	_ =	shalt  }
0x67: {  	_ =	shalt  }
0x68: {  	_ =	shalt  }
0x69: {  	_ =	shalt  }
0x6a: {  	_ =	shalt  }
0x6b: {  	_ =	shalt  }
0x6c: {  	_ =	shalt  }
0x6d: {  	_ =	shalt  }
0x6e: {  	_ =	shalt  }
0x6f: {  	_ =	shalt  }
0x70: {  	_ =	shalt  }
0x71: {  	_ =	shalt  }
0x72: {  	_ =	shalt  }
0x73: {  	_ =	shalt  }
0x74: {  	_ =	shalt  }
0x75: {  	_ =	shalt  }
0x76: {  	_ =	shalt  }
0x77: {  	_ =	shalt  }
0x78: {  	_ =	shalt  }
0x79: {  	_ =	shalt  }
0x7a: {  	_ =	shalt  }
0x7b: {  	_ =	shalt  }
0x7c: {  	_ =	shalt  }
0x7d: {  	_ =	shalt  }
0x7e: {  	_ =	shalt  }
0x7f: {  	_ =	shalt  }
0x80: {  	_ =	shalt  }
0x81: {  	_ =	shalt  }
0x82: {  	_ =	shalt  }
0x83: {  	_ =	shalt  }
0x84: {  	_ =	shalt  }
0x85: {  	_ =	shalt  }
0x86: {  	_ =	shalt  }
0x87: {  	_ =	shalt  }
.Lfunc_end0:
.L_simem_size_0:
called_computation_lowered:
.L_overlay_start_0:
0x88: {  	s2 =	sld [smem:$0x3FD9]  }
0x89: {  	s3 =	sld [smem:$0x3FFE];
	_ =	sdelay $0x1  }
0x8a: {  	s1 =	srdreg.scid  }
0x8b: {  	s0 =	sand.u32 $0x1, s1  }
0x8c: {  	s15 =	sshll.u32 s0, $0xA;
	s2 =	sadd.s32 s3, s2  }
0x8d: {  	s2 =	sadd.s32 s2, s15  }
0x8e: {  	[smem:$0x3FC6] =	sst s2  }
0x8f: {  	_ = 	snop  }
0x90: {  	s2 =	sld [smem:$0x3FD0];
	_ =	sdelay $0x2  }
0x91: {  	s4 =	simm.s32 $0xB;
	s16 =	simm.s32 $0x10  }
0x92: {  	[smem:s16], [sflag:s4] =	dma.local [hbm:s2], $0x1  }
0x93: {  	_ =	swait.eq [sflag:s4], $0x1  }
0x94: {  	[sflag:s4] =	ssyncset.done $0x0  }
0x95: {  	s17 =	sld [smem:$0x10];
	[sflag:s4] =	ssyncadd.s32 $0xFFFFFFFF  }
0x96: {  	s18 =	sld [smem:$0x11];
	(tm) =	ssettm $0x1  }
0x97: {  	s19 =	sld [smem:$0x3FFB];
	_ =	sdelay $0x3  }
0x98: {  	_ =	strace s19  }
0x99: {  	s2 =	sld [smem:$0x3FFC];
	_ =	sdelay $0x3  }
0x9a: {  	_ =	strace s2  }
0x9b: {  	s2 =	sld [smem:$0x3FFD];
	_ =	sdelay $0x3  }
0x9c: {  	_ =	strace s2  }
0x9d: {  	_ =	strace $0x8FFFFFFF  }
0x9e: {  	s20 =	sld [smem:$0x3FDB];
	_ =	sdelay $0x1  }
0x9f: {  	s5 =	simm.s32 $_scs_section_size  }
0xa0: {  	s6 =	simm.s32 $_size__tile_overlayer_lowered;
	s7 =	simm.s32 $_tile_overlayer_lowered  }
0xa1: {  	s8 =	simm.s32 $0x1BFF;
	s21 =	sshll.u32 s7, $0x1;
	s5 =	sadd.s32 s5, s20  }
0xa2: {  	s22 =	simm.s32 $0x0;
	s6 =	sshll.u32 s6, $0x1;
	s7 =	sadd.s32 s21, s5  }
0xa3: {  	[timem:s22], [sflag:s8] =	dma.local [hbm:s7], s6  }
0xa4: {  	_ =	swait.ge [sflag:s8], s6  }
0xa5: {  	s6 =	ssub.s32 $0x0, s6;
	[sflag:s8] =	ssyncset.done $0x0  }
0xa6: {  	[sflag:s8] =	ssyncadd.s32 s6;
	_ =	sdelay $0x1  }
0xa7: {  	s23 =	simm.s32 $0x1B8B  }
0xa8: {  	_ =	swait.ge [sflag:s23], $0x1  }
0xa9: {  	[sflag:s23] =	ssyncset.done $0x0  }
0xaa: {  	[sflag:s23] =	ssyncadd.s32 $0xFFFFFFFF  }
0xab: {  	s6 =	sld [smem:$0x0]  }
0xac: {  	s7 =	sand.u32 $0xFFFFFFFE, s1  }
0xad: {  	p0 =	sne.s32 s1, s7  }
0xae: {  	s7 =	sshll.u32 @p0 s7, $0xE  }
0xaf: {  	s7 =	sadd.s32 @p0 $0x11B8D, s7;
	s8 =	sshll.u32 @p0 s6, $0x11  }
0xb0: {  	s7 =	sor.u32 @p0 s8, s7  }
0xb1: {  	[sflag:s7] =	ssyncadd.remote.s32 @p0 $0x1;
	_ =	sdelay $0x1  }
0xb2: {  	s7 =	simm.s32 @p0 $0x1B8D  }
0xb3: {  	_ =	swait.eq @p0 [sflag:s7], $0x1  }
0xb4: {  	[sflag:s7] =	ssyncadd.s32 @p0 $0xFFFFFFFF  }
0xb5: {  	s8 =	sshll.u32 @!p0 s1, $0xE  }
0xb6: {  	s8 =	sor.u32 @!p0 $0x4000, s8;
	s7 =	simm.s32 @!p0 $0x1B8D  }
0xb7: {  	s6 =	sshll.u32 @!p0 s6, $0x11;
	s8 =	sadd.s32 @!p0 $0x11B8D, s8;
	_ =	swait.eq @!p0 [sflag:s7], $0x1  }
0xb8: {  	s6 =	sor.u32 @!p0 s6, s8;
	[sflag:s7] =	ssyncadd.s32 @!p0 $0xFFFFFFFF  }
0xb9: {  	s25 =	simm.s32 $0x1B8E;
	s24 =	sld [smem:$0x3FFE];
	[sflag:s6] =	ssyncadd.remote.s32 @!p0 $0x1  }
0xba: {  	s26 =	simm.s32 $execute0_lowered;
	[smem:$0x3FD2] =	sst s25  }
0xbb: {  	s7 =	sshll.u32 s26, $0x1;
	_ =	strace $0x80000049;
	[dreg:$0x1] =	wrdreg $0xFFFFFFFF  }
0xbc: {  	s28 =	simm.s32 $_size_execute0_lowered;
	s5 =	sadd.s32 s5, s7;
	[dreg:$0x0] =	wrdreg $0x0  }
0xbd: {  	s7 =	sshll.u32 s28, $0x1;
	[dreg:$0x2] =	wrdreg s5  }
0xbe: {  	[dreg:$0x3] =	wrdreg s7  }
0xbf: {  	[dreg:$0x4] =	wrdreg $0xC0  }
0xc0: {  	_ =	task [dreg:s22], $0x5FFFF  }
0xc1: {  	[dreg:$0x1] =	wrdreg $0xFFFFFFFF  }
0xc2: {  	[dreg:$0x0] =	wrdreg $0x60  }
0xc3: {  	[dreg:$0x2] =	wrdreg s24  }
0xc4: {  	[dreg:$0x3] =	wrdreg s18  }
0xc5: {  	[dreg:$0x4] =	wrdreg s17  }
0xc6: {  	[dreg:$0x5] =	wrdreg $0x9  }
0xc7: {  	_ =	task.clear_ibuf [dreg:s22], $0x6FFFF;
	_ =	strace $0x90000049  }
0xc8: {  	s29 =	simm.s32 $0x9;
	_ =	strace $0x8000004B  }
0xc9: {  	_ =	swait.ge [sflag:s29], $0x1  }
0xca: {  	[sflag:s29] =	ssyncadd.s32 $0xFFFFFFFF  }
0xcb: {  	_ =	strace $0x9000004B  }
0xcc: {  	_ =	sfence  }
0xcd: {  	s30 =	sld [smem:$0x0];
	_ =	sdelay $0x2  }
0xce: {  	s31 =	sshll.u32 s1, $0xD;
	s1 =	sshrl.u32 s1, $0x2  }
0xcf: {  	s4 =	sand.u32 $0x4000, s31;
	s1 =	sadd.s32 s1, s30  }
0xd0: {  	s0 =	sor.u32 s4, s0;
	s1 =	sshll.u32 s1, $0x11  }
0xd1: {  	s0 =	sor.u32 s1, s0  }
0xd2: {  	s0 =	sadd.s32 $0x8F2B, s0  }
0xd3: {  	[sflag:s0] =	ssyncadd.remote.s32 $0x1  }
0xd4: {  	_ =	sfence.sel $0xFFFF  }
0xd5: {  	[dreg:$0x0] =	wrdreg $0xFFFFFFFF;
	(pc) =	sbr.abs _section_cstart, $3  }
0xd6: {  	[dreg:$0x1] =	wrdreg $0xFFFFFFFF  }
0xd7: {  	_ =	task.clear_ibuf [dreg:s22], $0x2FFFF;
	_ =	strace $0x9FFFFFFF  }
0xd8: {  	(tm) =	ssettm $0x7FFFFFFF  }
0xd9: {  	_ =	shalt  }
tec
execute0_lowered:
.L_overlay_start_1:
0x0: {  	(tag) =	ssettag $0x1  }
0x1: {  	s3 =	rddreg [dreg:$0x0]  }
0x2: {  	s4 =	rddreg [dreg:$0x1]  }
0x3: {  	s1 =	srdreg.scid;
	s0 =	stileid.u32  }
0x4: {  	s5 =	rddreg [dreg:$0x2];
	s2 =	simm.s32 $0x0;
	s11 =	simm.s32 $0x400  }
0x5: {  	s12 =	simm.s32 $0x1000;
	s13 =	simm.s32 $0x1100;
	s14 =	simm.s32 $0x1200  }
0x6: {  	s15 =	simm.s32 $0x1300;
	s6 =	sand.u32 $0x1, s1;
	s1 =	rddreg [dreg:$0x3]  }
0x7: {  	s16 =	simm.s32 $0x0;
	s7 =	sshll.u32 s0, $0x1;
	[smem:$0x7FF] =	sst s2  }
0x8: {  	s8 =	sshll.u32 s0, $0x6;
	s7 =	sor.u32 s6, s7;
	_ =	strace $0x8000004A  }
0x9: {  	s8 =	sand.u32 $0x300, s8;
	s6 =	ssub.s32 $0x2, s6;
	s9 =	sshll.u32 s7, $0x4  }
0xa: {  	s7 =	sshll.u32 s7, $0x9;
	s31 =	sshrl.u32 s6, $0x1;
	s9 =	sand.u32 $0x70, s9  }
0xb: {  	s7 =	sadd.s32 s7, s3;
	s10 =	ssub.s32 s6, s31;
	s8 =	sor.u32 s8, s9  }
0xc: {  	s9 =	sadd.s32 s8, s3;
	s3 =	sadd.s32 $0x6A00, s7;
	s4 =	sadd.s32 s4, s8  }
0xd: {  	s5 =	sadd.s32 s5, s8;
	s8 =	smax.u32 s10, $0x1;
	s10 =	simm.s32 $0x80  }
0xe: {  	v0 =	vimm.s32 $0x0;
	s6 =	sadd.s32 $0xAA00, s9;
	s7 =	sadd.s32 $0xAE00, s9;
	s9 =	simm.s32 $0x1  }
.LBB2_1:
0xf: {  	[tilespmem:s2], [sflag:$0x1] =	stream.linear.gather [hbm4b:s3+s2], $0x1000, $0x38;
	[tilespmem:$0x1400] =	vst v63  }
0x10: {  	_ =	swait.ge [sflag:s9], $0x1000  }
0x11: {  	s17 =	sand.u32 $0x70, s2;
	s18 =	sand.u32 $0x400, s2;
	[sflag:s9] =	ssyncset.done $0x0  }
0x12: {  	s17 =	sor.u32 s17, s18;
	[sflag:s9] =	ssyncadd.s32 $0xFFFFF000  }
0x13: {  	v8 =	vld [tilespmem:s17+$0x0];
	_ =	sdelay $0x1  }
0x14: {  	v9 =	vld [tilespmem:s17+$0x80];
	_ =	sdelay $0x2  }
0x15: {  	v10 =	vld [tilespmem:s17+$0x100];
	vm0 =	vgt.f32 v8, $-Inf  }
0x16: {  	v1 =	vnsel vm0, $0xFF800000, v8  }
0x17: {  	v11 =	vld [tilespmem:s17+$0x180];
	vm5 =	vgt.f32 v9, v1  }
0x18: {  	vm4 =	vmneg vm5  }
0x19: {  	v12 =	vld [tilespmem:s17+$0x200];
	v2 =	vsel vm4, v1, v9  }
0x1a: {  	vm13 =	vgt.f32 v10, v2  }
0x1b: {  	v13 =	vld [tilespmem:s17+$0x280];
	v3 =	vsel vm13, v10, v2  }
0x1c: {  	vm12 =	vgt.f32 v11, v3  }
0x1d: {  	v14 =	vld [tilespmem:s17+$0x300];
	v4 =	vsel vm12, v11, v3  }
0x1e: {  	vm11 =	vgt.f32 v12, v4  }
0x1f: {  	v16 =	vld [tilespmem:s17+$0x380];
	v15 =	vsel vm11, v12, v4  }
0x20: {  	vm10 =	vgt.f32 v13, v15  }
0x21: {  	v18 =	vld [tilespmem:s17+$0x800];
	v17 =	vsel vm10, v13, v15  }
0x22: {  	vm9 =	vgt.f32 v14, v17  }
0x23: {  	v20 =	vld [tilespmem:s17+$0x880];
	v19 =	vsel vm9, v14, v17  }
0x24: {  	vm8 =	vgt.f32 v16, v19  }
0x25: {  	v6 =	vimm.s32 $0x0;
	v22 =	vld [tilespmem:s17+$0x900];
	v21 =	vsel vm8, v16, v19  }
0x26: {  	vm2 =	vlt.f32 v9, $-Inf;
	vm3 =	vgt.f32 v9, $-Inf;
	vm7 =	vgt.f32 v18, v21  }
0x27: {  	v55 =	vimm.s32 $0x0;
	v24 =	vld [tilespmem:s17+$0x980];
	vm14 =	vmor vm3, vm2;
	v23 =	vsel vm7, v18, v21  }
0x28: {  	v5 =	vnsel vm14, $0xFF800000, v9;
	v29 =	vsel vm5, $0x1, v0;
	vm6 =	vgt.f32 v20, v23  }
0x29: {  	v26 =	vld [tilespmem:s17+$0xA00];
	v1 =	vsel vm4, v5, v1;
	vm4 =	vmand vm14, vm4;
	v25 =	vsel vm6, v20, v23  }
0x2a: {  	vm15 =	vgt.f32 v10, v1;
	v30 =	vsel vm4, $0x1, v0;
	vm3 =	vgt.f32 v22, v25  }
0x2b: {  	v54 =	vld [tilespmem:s17+$0xA80];
	v1 =	vsel vm15, v10, v1;
	v30 =	vsel vm15, $0x2, v30;
	v27 =	vsel vm3, v22, v25  }
0x2c: {  	v1 =	vsel vm13, v2, v1;
	v2 =	vimm.s32 $0x0;
	vm0 =	vgt.f32 v24, v27  }
0x2d: {  	v30 =	vsel vm13, v29, v30;
	v2 =	vsel vm0, $0xFFFFFFFF, v2;
	v28 =	vsel vm0, v24, v27  }
0x2e: {  	v29 =	vsel vm13, $0x2, v29;
	vm2 =	vgt.f32 v11, v1;
	[tilespmem:$0x1FFC0] =	vst v2;
	v2 =	vld [tilespmem:s17+$0xB00];
	vm0 =	vgt.f32 v26, v28  }
0x2f: {  	v1 =	vsel vm2, v11, v1;
	v30 =	vsel vm2, $0x3, v30;
	v7 =	vsel vm0, v26, v28  }
0x30: {  	v3 =	vsel vm12, v3, v1;
	v6 =	vsel vm0, $0xFFFFFFFF, v6;
	vm0 =	vgt.f32 v54, v7  }
0x31: {  	v1 =	vld [tilespmem:s17+$0xB80];
	v56 =	vsel vm12, v29, v30;
	vm1 =	vgt.f32 v12, v3;
	[tilespmem:$0x1FFD0] =	vst v6;
	v6 =	vsel vm0, $0xFFFFFFFF, v55  }
0x32: {  	v29 =	vsel vm12, $0x3, v29;
	v3 =	vsel vm1, v12, v3;
	[tilespmem:$0x1FFE0] =	vst v6;
	v6 =	vsel vm0, v54, v7  }
0x33: {  	v4 =	vsel vm11, v4, v3;
	v3 =	vimm.s32 $0x0;
	vm0 =	vgt.f32 v2, v6  }
0x34: {  	v60 =	vsel vm11, $0x4, v29;
	vm5 =	vgt.f32 v13, v4;
	v3 =	vsel vm0, $0xFFFFFFFF, v3  }
0x35: {  	v58 =	vsel vm1, $0x4, v56;
	v4 =	vsel vm5, v13, v4;
	[tilespmem:$0x1FFF0] =	vst v3;
	v3 =	vsel vm0, v2, v6  }
0x36: {  	v63 =	vsel vm10, $0x5, v60;
	v15 =	vsel vm10, v15, v4;
	vm4 =	vgt.f32 v1, v3  }
0x37: {  	v59 =	vsel vm11, v29, v58;
	vm14 =	vgt.f32 v14, v15;
	v4 =	vsel vm4, v1, v3  }
0x38: {  	v15 =	vsel vm14, v14, v15;
	v8 =	vsub.f32 v8, v4;
	v9 =	vsub.f32 v9, v4  }
0x39: {  	v15 =	vsel vm9, v17, v15;
	v10 =	vsub.f32 v10, v4;
	v11 =	vsub.f32 v11, v4  }
0x3a: {  	v61 =	vsub.f32 v12, v4;
	v62 =	vsub.f32 v13, v4;
	v8 =	vmul.f32 $1.442695020e+00, v8  }
0x3b: {  	vm0 =	vgt.f32 v16, v15;
	v17 =	vsub.f32 v14, v4;
	v29 =	vsub.f32 v18, v4  }
0x3c: {  	v50 =	vld [tilespmem:$0x1FFE0];
	v30 =	vsub.f32 v20, v4;
	v9 =	vmul.f32 $1.442695020e+00, v9;
	(erf) = vpow2.f32 v8  }
0x3d: {  	v57 =	vsel vm0, v16, v15;
	v32 =	vsub.f32 v22, v4;
	v35 =	vsub.f32 v24, v4  }
0x3e: {  	v38 =	vsub.f32 v26, v4;
	v10 =	vmul.f32 $1.442695020e+00, v10;
	(erf) = vpow2.f32 v9  }
0x3f: {  	v12 =	vsel vm9, $0x6, v63;
	v40 =	vsub.f32 v54, v4;
	v42 =	vsub.f32 v2, v4  }
0x40: {  	v11 =	vmul.f32 $1.442695020e+00, v11;
	v8 =	vsel vm8, v19, v57;
	(erf) = vpow2.f32 v10  }
0x41: {  	v46 =	vsub.f32 v1, v4;
	vm12 =	vnez.u8 v50;
	vm2 =	vgt.f32 v18, v8  }
0x42: {  	v9 =	vsel vm5, $0x5, v59;
	v10 =	vmul.f32 $1.442695020e+00, v61;
	(erf) = vpow2.f32 v11  }
0x43: {  	v13 =	vmul.f32 $1.442695020e+00, v17;
	v8 =	vsel vm2, v18, v8;
	v9 =	vsel vm10, v60, v9  }
0x44: {  	v8 =	vsel vm7, v21, v8;
	v11 =	vmul.f32 $1.442695020e+00, v62;
	(erf) = vpow2.f32 v10  }
0x45: {  	v9 =	vsel vm14, $0x6, v9;
	v21 =	vsub.f32 v16, v4;
	vm5 =	vgt.f32 v20, v8;
	v19 =	vpop (erf)  }
0x46: {  	v8 =	vsel vm5, v20, v8;
	(erf) = vpow2.f32 v11;
	v10 =	vadd.f32 $0.0e+00, v19  }
0x47: {  	v9 =	vsel vm9, v63, v9;
	v14 =	vmul.f32 $1.442695020e+00, v21;
	v8 =	vsel vm6, v23, v8;
	v23 =	vpop (erf)  }
0x48: {  	v37 =	vld [tilespmem:$0x1FFC0];
	vm10 =	vgt.f32 v22, v8;
	(erf) = vpow2.f32 v13;
	v10 =	vadd.f32 v10, v23  }
0x49: {  	v34 =	vsel vm8, $0x7, v12;
	v9 =	vsel vm0, $0x7, v9;
	v8 =	vsel vm10, v22, v8;
	v31 =	vpop (erf)  }
0x4a: {  	v11 =	vmul.f32 $1.442695020e+00, v29;
	(erf) = vpow2.f32 v14;
	v10 =	vadd.f32 v10, v31  }
0x4b: {  	v48 =	vmul.f32 $1.442695020e+00, v46;
	v9 =	vsel vm8, v12, v9;
	v8 =	vsel vm3, v25, v8;
	v33 =	vpop (erf)  }
0x4c: {  	v13 =	vmul.f32 $1.442695020e+00, v30;
	(erf) = vpow2.f32 v11;
	v10 =	vadd.f32 v10, v33  }
0x4d: {  	vm14 =	vnez.u8 v37;
	v9 =	vsel vm2, $0x8, v9;
	vm9 =	vgt.f32 v24, v8;
	v36 =	vpop (erf)  }
0x4e: {  	v44 =	vld [tilespmem:$0x1FFD0];
	v14 =	vmul.f32 $1.442695020e+00, v32;
	(erf) = vpow2.f32 v13;
	v10 =	vadd.f32 v10, v36  }
0x4f: {  	v12 =	vmul.f32 $1.442695020e+00, v35;
	v9 =	vsel vm7, v34, v9;
	v8 =	vsel vm9, v24, v8;
	v39 =	vpop (erf)  }
0x50: {  	v8 =	vsel vm14, v27, v8;
	(erf) = vpow2.f32 v14;
	v10 =	vadd.f32 v10, v39  }
0x51: {  	v9 =	vsel vm5, $0x9, v9;
	v11 =	vsel vm7, $0x8, v34;
	vm15 =	vgt.f32 v26, v8;
	v41 =	vpop (erf)  }
0x52: {  	v13 =	vmul.f32 $1.442695020e+00, v38;
	(erf) = vpow2.f32 v12;
	v10 =	vadd.f32 v10, v41  }
0x53: {  	vm7 =	vnez.u8 v44;
	v9 =	vsel vm6, v11, v9;
	v8 =	vsel vm15, v26, v8;
	v43 =	vpop (erf)  }
0x54: {  	v14 =	vmul.f32 $1.442695020e+00, v40;
	(erf) = vpow2.f32 v13;
	v10 =	vadd.f32 v10, v43  }
0x55: {  	v11 =	vsel vm6, $0x9, v11;
	v9 =	vsel vm10, $0xA, v9;
	v8 =	vsel vm7, v28, v8;
	v45 =	vpop (erf)  }
0x56: {  	v56 =	vld [tilespmem:$0x1FFF0];
	v12 =	vmul.f32 $1.442695020e+00, v42;
	(erf) = vpow2.f32 v14;
	v10 =	vadd.f32 v10, v45  }
0x57: {  	v52 =	vsel vm3, $0xA, v11;
	v9 =	vsel vm3, v11, v9;
	vm11 =	vgt.f32 v54, v8;
	v47 =	vpop (erf)  }
0x58: {  	v5 =	vsel vm11, v54, v8;
	(erf) = vpow2.f32 v12;
	v10 =	vadd.f32 v10, v47  }
0x59: {  	v55 =	vsel vm14, $0xB, v52;
	v9 =	vsel vm9, $0xB, v9;
	v5 =	vsel vm12, v7, v5;
	v49 =	vpop (erf)  }
0x5a: {  	vm13 =	vgt.f32 v2, v5;
	(erf) = vpow2.f32 v48;
	v51 =	vadd.f32 v10, v49  }
0x5b: {  	v8 =	vsel vm14, v52, v9;
	vm14 =	vnez.u8 v56;
	v2 =	vsel vm13, v2, v5;
	v53 =	vpop (erf)  }
0x5c: {  	v2 =	vsel vm14, v6, v2;
	v54 =	vadd.f32 v51, v53  }
0x5d: {  	v57 =	vpop (erf)  }
0x5e: {  	v8 =	vsel vm15, $0xC, v8;
	vm15 =	vgt.f32 v1, v2;
	v5 =	vadd.f32 v54, v57  }
0x5f: {  	v1 =	vsel vm15, v1, v2;
	v2 =	vpop (erf)  }
0x60: {  	v1 =	vsel vm4, v3, v1;
	v2 =	vadd.f32 v5, v2  }
0x61: {  	v1 =	vsub.f32 v1, v4;
	v59 =	vpop (erf)  }
0x62: {  	v2 =	vadd.f32 v2, v59  }
0x63: {  	v1 =	vmul.f32 $1.442695020e+00, v1;
	v62 =	vpop (erf)  }
0x64: {  	v7 =	vsel vm7, v55, v8;
	v2 =	vadd.f32 v2, v62  }
0x65: {  	v58 =	vsel vm7, $0xC, v55;
	v7 =	vsel vm11, $0xD, v7;
	(erf) = vpow2.f32 v1  }
0x66: {  	v3 =	vsel vm12, v58, v7;
	(erf) = vrcp.f32 v2  }
0x67: {  	v60 =	vsel vm12, $0xD, v58;
	v3 =	vsel vm13, $0xE, v3  }
0x68: {  	s19 =	simm.s32 $0x10;
	s28 =	simm.s32 $0x20;
	v61 =	vsel vm14, $0xE, v60;
	v3 =	vsel vm14, v60, v3  }
0x69: {  	s21 =	simm.s32 $0x80;
	s20 =	simm.s32 $0x1000;
	s23 =	simm.s32 $0x1200;
	v63 =	vsel vm4, $0xF, v61;
	v3 =	vsel vm15, $0xF, v3  }
0x6a: {  	s22 =	simm.s32 $0x1300;
	s18 =	simm.s32 $0x1310;
	s25 =	sand.u32 $0x70, s19;
	[tilespmem:s12+$0x0] =	vst v63;
	v3 =	vsel vm4, v61, v3  }
0x6b: {  	s26 =	sand.u32 $0x400, s21;
	s19 =	simm.s32 $0x1110;
	s17 =	simm.s32 $0x1210;
	[tilespmem:s13+$0x0] =	vst v3  }
.LBB2_2:
0x6c: {  	s26 =	sor.u32 s25, s26  }
0x6d: {  	s20 =	sadd.s32 $0x10, s20;
	s25 =	smov.u32 s28;
	s24 =	sadd.s32 $0x10, s28  }
0x6e: {  	p0 =	sne.s32 s28, $0xF0;
	v1 =	vpop (erf)  }
0x6f: {  	v2 =	vpop (erf)  }
0x70: {  	[tilespmem:s23+$0x0] =	vst v2;
	v1 =	vmul.f32 v2, v1;
	s23 =	smov.u32 s17;
	_ =	sdelay $0x1  }
0x71: {  	[tilespmem:s22+$0x0] =	vst v1;
	s22 =	smov.u32 s18  }
0x72: {  	v2 =	vld [tilespmem:s26+$0x0]  }
0x73: {  	v1 =	vld [tilespmem:s26+$0x80];
	_ =	sdelay $0x2  }
0x74: {  	v3 =	vld [tilespmem:s26+$0x100]  }
0x75: {  	vm0 =	vgt.f32 v2, $-Inf  }
0x76: {  	v5 =	vnsel vm0, $0xFF800000, v2;
	vm0 =	vlt.f32 v1, $-Inf;
	vm1 =	vgt.f32 v1, $-Inf;
	v4 =	vld [tilespmem:s26+$0x180]  }
0x77: {  	vm2 =	vgt.f32 v1, v5;
	vm0 =	vmor vm1, vm0  }
0x78: {  	vm1 =	vmneg vm2;
	v6 =	vnsel vm0, $0xFF800000, v1;
	v7 =	vsel vm2, $0x1, v0  }
0x79: {  	v6 =	vsel vm1, v6, v5;
	vm0 =	vmand vm0, vm1;
	v8 =	vsel vm1, v5, v1;
	v5 =	vld [tilespmem:s26+$0x200]  }
0x7a: {  	v9 =	vsel vm0, $0x1, v0;
	vm0 =	vgt.f32 v3, v8;
	vm1 =	vgt.f32 v3, v6  }
0x7b: {  	v10 =	vsel vm1, v3, v6;
	v9 =	vsel vm1, $0x2, v9;
	v11 =	vsel vm0, v3, v8;
	v6 =	vld [tilespmem:s26+$0x280]  }
0x7c: {  	v8 =	vsel vm0, v8, v10;
	v9 =	vsel vm0, v7, v9;
	vm1 =	vgt.f32 v4, v11  }
0x7d: {  	v7 =	vsel vm0, $0x2, v7;
	vm0 =	vgt.f32 v4, v8;
	v10 =	vsel vm1, v4, v11;
	v12 =	vld [tilespmem:s26+$0x300]  }
0x7e: {  	v8 =	vsel vm0, v4, v8;
	v9 =	vsel vm0, $0x3, v9;
	vm0 =	vgt.f32 v5, v10  }
0x7f: {  	v8 =	vsel vm1, v11, v8;
	v11 =	vsel vm1, $0x3, v7;
	v13 =	vsel vm0, v5, v10;
	v14 =	vld [tilespmem:s26+$0x380]  }
0x80: {  	v7 =	vsel vm1, v7, v9;
	vm1 =	vgt.f32 v5, v8;
	vm3 =	vgt.f32 v6, v13  }
0x81: {  	v8 =	vsel vm1, v5, v8;
	v7 =	vsel vm1, $0x4, v7;
	v9 =	vsel vm3, v6, v13;
	v15 =	vld [tilespmem:s26+$0x800]  }
0x82: {  	v8 =	vsel vm0, v10, v8;
	v7 =	vsel vm0, v11, v7;
	vm4 =	vgt.f32 v12, v9  }
0x83: {  	v10 =	vsel vm0, $0x4, v11;
	vm0 =	vgt.f32 v6, v8;
	v11 =	vsel vm4, v12, v9;
	v16 =	vld [tilespmem:s26+$0x880]  }
0x84: {  	v8 =	vsel vm0, v6, v8;
	v7 =	vsel vm0, $0x5, v7;
	vm2 =	vgt.f32 v14, v11  }
0x85: {  	v8 =	vsel vm3, v13, v8;
	v13 =	vsel vm3, $0x5, v10;
	v17 =	vsel vm2, v14, v11;
	v18 =	vld [tilespmem:s26+$0x900]  }
0x86: {  	v7 =	vsel vm3, v10, v7;
	vm0 =	vgt.f32 v12, v8;
	vm1 =	vgt.f32 v15, v17  }
0x87: {  	v8 =	vsel vm0, v12, v8;
	v7 =	vsel vm0, $0x6, v7;
	v10 =	vsel vm1, v15, v17;
	v19 =	vld [tilespmem:s26+$0x980]  }
0x88: {  	v8 =	vsel vm4, v9, v8;
	v7 =	vsel vm4, v13, v7;
	vm0 =	vgt.f32 v16, v10  }
0x89: {  	v9 =	vsel vm4, $0x6, v13;
	vm3 =	vgt.f32 v14, v8;
	v13 =	vsel vm0, v16, v10;
	v20 =	vld [tilespmem:s26+$0xA00]  }
0x8a: {  	v8 =	vsel vm3, v14, v8;
	v7 =	vsel vm3, $0x7, v7;
	vm6 =	vgt.f32 v18, v13  }
0x8b: {  	v8 =	vsel vm2, v11, v8;
	v7 =	vsel vm2, v9, v7;
	v11 =	vsel vm6, v18, v13;
	v21 =	vld [tilespmem:s26+$0xA80]  }
0x8c: {  	v9 =	vsel vm2, $0x7, v9;
	vm2 =	vgt.f32 v15, v8;
	vm4 =	vgt.f32 v19, v11  }
0x8d: {  	v8 =	vsel vm2, v15, v8;
	v7 =	vsel vm2, $0x8, v7;
	v22 =	vsel vm4, v19, v11;
	v23 =	vld [tilespmem:s26+$0xB00]  }
0x8e: {  	v8 =	vsel vm1, v17, v8;
	v7 =	vsel vm1, v9, v7;
	vm3 =	vgt.f32 v20, v22  }
0x8f: {  	v9 =	vsel vm1, $0x8, v9;
	vm1 =	vgt.f32 v16, v8;
	v17 =	vsel vm3, v20, v22;
	v24 =	vld [tilespmem:s26+$0xB80]  }
0x90: {  	v8 =	vsel vm1, v16, v8;
	v7 =	vsel vm1, $0x9, v7;
	vm2 =	vgt.f32 v21, v17  }
0x91: {  	v8 =	vsel vm0, v10, v8;
	v10 =	vsel vm0, $0x9, v9;
	v25 =	vsel vm2, v21, v17  }
0x92: {  	v7 =	vsel vm0, v9, v7;
	vm1 =	vgt.f32 v18, v8;
	vm0 =	vgt.f32 v23, v25  }
0x93: {  	v9 =	vsel vm6, $0xA, v10;
	v8 =	vsel vm1, v18, v8;
	v26 =	vsel vm0, v23, v25  }
0x94: {  	v7 =	vsel vm1, $0xA, v7;
	v8 =	vsel vm6, v13, v8;
	vm1 =	vgt.f32 v24, v26  }
0x95: {  	v13 =	vsel vm4, $0xB, v9;
	vm5 =	vgt.f32 v19, v8;
	v27 =	vsel vm1, v24, v26  }
0x96: {  	v8 =	vsel vm5, v19, v8;
	v2 =	vsub.f32 v2, v27;
	v12 =	vsub.f32 v12, v27  }
0x97: {  	v1 =	vsub.f32 v1, v27;
	v3 =	vsub.f32 v3, v27;
	v8 =	vsel vm4, v11, v8  }
0x98: {  	v4 =	vsub.f32 v4, v27;
	v2 =	vmul.f32 $1.442695020e+00, v2;
	v11 =	vmul.f32 $1.442695020e+00, v12  }
0x99: {  	v7 =	vsel vm6, v10, v7;
	v5 =	vsub.f32 v5, v27;
	v6 =	vsub.f32 v6, v27  }
0x9a: {  	v10 =	vsub.f32 v14, v27;
	v1 =	vmul.f32 $1.442695020e+00, v1;
	(erf) = vpow2.f32 v2  }
0x9b: {  	v2 =	vmul.f32 $1.442695020e+00, v3;
	v3 =	vmul.f32 $1.442695020e+00, v5;
	v5 =	vsub.f32 v15, v27  }
0x9c: {  	v4 =	vmul.f32 $1.442695020e+00, v4;
	v12 =	vsub.f32 v16, v27;
	(erf) = vpow2.f32 v1  }
0x9d: {  	v1 =	vmul.f32 $1.442695020e+00, v6;
	v6 =	vmul.f32 $1.442695020e+00, v10;
	v10 =	vsub.f32 v18, v27  }
0x9e: {  	v14 =	vsub.f32 v19, v27;
	v5 =	vmul.f32 $1.442695020e+00, v5;
	(erf) = vpow2.f32 v2  }
0x9f: {  	v2 =	vmul.f32 $1.442695020e+00, v12;
	v10 =	vmul.f32 $1.442695020e+00, v10;
	v12 =	vsub.f32 v20, v27  }
0xa0: {  	v14 =	vmul.f32 $1.442695020e+00, v14;
	v15 =	vsub.f32 v21, v27;
	(erf) = vpow2.f32 v4  }
0xa1: {  	vm6 =	vgt.f32 v20, v8;
	v4 =	vmul.f32 $1.442695020e+00, v12;
	v12 =	vsub.f32 v23, v27  }
0xa2: {  	v8 =	vsel vm6, v20, v8;
	v15 =	vmul.f32 $1.442695020e+00, v15;
	(erf) = vpow2.f32 v3  }
0xa3: {  	v18 =	vsub.f32 v24, v27;
	v3 =	vsel vm3, v22, v8;
	v8 =	vmul.f32 $1.442695020e+00, v12;
	v16 =	vpop (erf)  }
0xa4: {  	vm7 =	vgt.f32 v21, v3;
	v16 =	vadd.f32 $0.0e+00, v16;
	(erf) = vpow2.f32 v1  }
0xa5: {  	v1 =	vsel vm5, $0xB, v7;
	v3 =	vsel vm7, v21, v3;
	v7 =	vmul.f32 $1.442695020e+00, v18;
	v12 =	vpop (erf)  }
0xa6: {  	v3 =	vsel vm2, v17, v3;
	v12 =	vadd.f32 v16, v12;
	(erf) = vpow2.f32 v11  }
0xa7: {  	v1 =	vsel vm4, v9, v1;
	v9 =	vsel vm3, $0xC, v13;
	vm4 =	vgt.f32 v23, v3;
	v11 =	vpop (erf)  }
0xa8: {  	v3 =	vsel vm4, v23, v3;
	v11 =	vadd.f32 v12, v11;
	(erf) = vpow2.f32 v6  }
0xa9: {  	v1 =	vsel vm6, $0xC, v1;
	v3 =	vsel vm0, v25, v3;
	v6 =	vpop (erf)  }
0xaa: {  	v1 =	vsel vm3, v13, v1;
	v6 =	vadd.f32 v11, v6;
	(erf) = vpow2.f32 v5  }
0xab: {  	v1 =	vsel vm7, $0xD, v1;
	vm3 =	vgt.f32 v24, v3;
	v5 =	vpop (erf)  }
0xac: {  	v11 =	vsel vm3, v24, v3;
	v5 =	vadd.f32 v6, v5;
	(erf) = vpow2.f32 v2  }
0xad: {  	v1 =	vsel vm2, v9, v1;
	v2 =	vsel vm1, v26, v11;
	v3 =	vpop (erf)  }
0xae: {  	v2 =	vsub.f32 v2, v27;
	v3 =	vadd.f32 v5, v3;
	(erf) = vpow2.f32 v10  }
0xaf: {  	v1 =	vsel vm4, $0xE, v1;
	v5 =	vsel vm2, $0xD, v9;
	v6 =	vpop (erf)  }
0xb0: {  	v2 =	vmul.f32 $1.442695020e+00, v2;
	v3 =	vadd.f32 v3, v6;
	(erf) = vpow2.f32 v14  }
0xb1: {  	v1 =	vsel vm0, v5, v1;
	v9 =	vsel vm0, $0xE, v5;
	v6 =	vpop (erf)  }
0xb2: {  	v1 =	vsel vm3, $0xF, v1;
	v3 =	vadd.f32 v3, v6;
	(erf) = vpow2.f32 v4  }
0xb3: {  	v6 =	vsel vm1, v9, v1;
	v4 =	vsel vm1, $0xF, v9;
	v5 =	vpop (erf)  }
0xb4: {  	v5 =	vadd.f32 v3, v5;
	[tilespmem:s20+$0x0] =	vst v4;
	(erf) = vpow2.f32 v15  }
0xb5: {  	[tilespmem:s19+$0x0] =	vst v6;
	v1 =	vpop (erf)  }
0xb6: {  	v1 =	vadd.f32 v5, v1;
	(erf) = vpow2.f32 v8  }
0xb7: {  	v3 =	vpop (erf)  }
0xb8: {  	v1 =	vadd.f32 v1, v3;
	(erf) = vpow2.f32 v7  }
0xb9: {  	v3 =	vpop (erf)  }
0xba: {  	v1 =	vadd.f32 v1, v3  }
0xbb: {  	v3 =	vpop (erf)  }
0xbc: {  	v1 =	vadd.f32 v1, v3  }
0xbd: {  	v3 =	vpop (erf)  }
0xbe: {  	v1 =	vadd.f32 v1, v3  }
0xbf: {  	v3 =	vpop (erf)  }
0xc0: {  	v1 =	vadd.f32 v1, v3  }
0xc1: {  	v3 =	vpop (erf)  }
0xc2: {  	v1 =	vadd.f32 v1, v3  }
0xc3: {  	(erf) = vpow2.f32 v2  }
0xc4: {  	(erf) = vrcp.f32 v1;
	_ =	sdelay $0x1  }
.Ltmp0:
0xc5: {  	(pc) =	sbr.rel @p0 .LBB2_2-.Ltmp0, $4  }
0xc6: {  	_ = 	snop  }
0xc7: {  	s21 =	sadd.s32 $0x80, s21  }
0xc8: {  	s25 =	sand.u32 $0x70, s25;
	s17 =	sadd.s32 $0x10, s17;
	s18 =	sadd.s32 $0x10, s18  }
0xc9: {  	s28 =	smov.u32 s24;
	s26 =	sand.u32 $0x400, s21;
	s19 =	sadd.s32 $0x10, s19  }
0xca: {  	_ = 	snop  }
0xcb: {  	v1 =	vpop (erf)  }
0xcc: {  	v2 =	vpop (erf)  }
0xcd: {  	v1 =	vmul.f32 v2, v1  }
0xce: {  	[tilespmem:s23+$0x0] =	vst v2  }
0xcf: {  	s21 =	sor.u32 s25, s26;
	[tilespmem:s22+$0x0] =	vst v1  }
0xd0: {  	v7 =	vld [tilespmem:s21+$0x0];
	_ =	sdelay $0x1  }
0xd1: {  	v8 =	vld [tilespmem:s21+$0x80];
	_ =	sdelay $0x2  }
0xd2: {  	v9 =	vld [tilespmem:s21+$0x100];
	vm0 =	vgt.f32 v7, $-Inf  }
0xd3: {  	v2 =	vnsel vm0, $0xFF800000, v7  }
0xd4: {  	v10 =	vld [tilespmem:s21+$0x180];
	vm5 =	vgt.f32 v8, v2  }
0xd5: {  	vm3 =	vmneg vm5  }
0xd6: {  	v11 =	vld [tilespmem:s21+$0x200];
	v4 =	vsel vm3, v2, v8  }
0xd7: {  	vm2 =	vgt.f32 v9, v4  }
0xd8: {  	v13 =	vld [tilespmem:s21+$0x280];
	v12 =	vsel vm2, v9, v4  }
0xd9: {  	vm12 =	vgt.f32 v10, v12  }
0xda: {  	v15 =	vld [tilespmem:s21+$0x300];
	v14 =	vsel vm12, v10, v12  }
0xdb: {  	vm11 =	vgt.f32 v11, v14  }
0xdc: {  	v17 =	vld [tilespmem:s21+$0x380];
	v16 =	vsel vm11, v11, v14  }
0xdd: {  	vm10 =	vgt.f32 v13, v16  }
0xde: {  	v19 =	vld [tilespmem:s21+$0x800];
	v18 =	vsel vm10, v13, v16  }
0xdf: {  	vm9 =	vgt.f32 v15, v18  }
0xe0: {  	v21 =	vld [tilespmem:s21+$0x880];
	v20 =	vsel vm9, v15, v18  }
0xe1: {  	vm8 =	vgt.f32 v17, v20  }
0xe2: {  	v23 =	vld [tilespmem:s21+$0x900];
	v22 =	vsel vm8, v17, v20  }
0xe3: {  	vm15 =	vgt.f32 v19, v22  }
0xe4: {  	v25 =	vld [tilespmem:s21+$0x980];
	v24 =	vsel vm15, v19, v22  }
0xe5: {  	v1 =	vimm.s32 $0x0;
	vm4 =	vgt.f32 v21, v24  }
0xe6: {  	v27 =	vld [tilespmem:s21+$0xA00];
	v1 =	vsel vm4, $0xFFFFFFFF, v1;
	v26 =	vsel vm4, v21, v24  }
0xe7: {  	v45 =	vimm.s32 $0x0;
	[tilespmem:$0x1FF30] =	vst v1;
	vm0 =	vgt.f32 v23, v26;
	v1 =	vimm.s32 $0x0  }
0xe8: {  	v31 =	vimm.s32 $0x0;
	v5 =	vld [tilespmem:s21+$0xA80];
	v1 =	vsel vm0, $0xFFFFFFFF, v1;
	v28 =	vsel vm0, v23, v26  }
0xe9: {  	v46 =	vimm.s32 $0x0;
	[tilespmem:$0x1FF40] =	vst v1;
	vm4 =	vgt.f32 v25, v28;
	v1 =	vimm.s32 $0x0  }
0xea: {  	vm6 =	vlt.f32 v8, $-Inf;
	v1 =	vsel vm4, $0xFFFFFFFF, v1;
	v29 =	vsel vm4, v25, v28  }
0xeb: {  	v3 =	vld [tilespmem:s21+$0xB00];
	vm1 =	vgt.f32 v8, $-Inf;
	[tilespmem:$0x1FF50] =	vst v1;
	vm7 =	vgt.f32 v27, v29;
	v1 =	vimm.s32 $0x0  }
0xec: {  	vm0 =	vmor vm1, vm6;
	v1 =	vsel vm7, $0xFFFFFFFF, v1;
	v30 =	vsel vm7, v27, v29  }
0xed: {  	v49 =	vimm.s32 $0x0;
	v6 =	vnsel vm0, $0xFF800000, v8;
	[tilespmem:$0x1FF60] =	vst v1;
	v1 =	vld [tilespmem:s21+$0xB80];
	vm13 =	vgt.f32 v5, v30  }
0xee: {  	v56 =	vimm.s32 $0x0;
	v2 =	vsel vm3, v6, v2;
	v33 =	vld [tilespmem:$0x1FF40];
	v6 =	vsel vm13, $0xFFFFFFFF, v45  }
0xef: {  	v58 =	vsel vm5, $0x1, v0;
	vm1 =	vgt.f32 v9, v2;
	v40 =	vld [tilespmem:$0x1FF50];
	[tilespmem:$0x1FF80] =	vst v6;
	v6 =	vsel vm13, v5, v30  }
0xf0: {  	vm0 =	vmand vm0, vm3;
	v2 =	vsel vm1, v9, v2;
	vm4 =	vgt.f32 v3, v6  }
0xf1: {  	v54 =	vsel vm0, $0x1, v0;
	v4 =	vsel vm2, v4, v2;
	v2 =	vsel vm4, v3, v6  }
0xf2: {  	v31 =	vsel vm4, $0xFFFFFFFF, v31;
	vm4 =	vgt.f32 v10, v4;
	vm6 =	vgt.f32 v1, v2  }
0xf3: {  	v57 =	vsel vm1, $0x2, v54;
	v47 =	vsel vm4, v10, v4;
	v4 =	vsel vm6, v1, v2  }
0xf4: {  	vm1 =	vnez.u8 v33;
	vm0 =	vnez.u8 v40;
	v7 =	vsub.f32 v7, v4  }
0xf5: {  	[tilespmem:$0x1FF90] =	vst v31;
	v31 =	vsel vm6, $0xFFFFFFFF, v46;
	v8 =	vsub.f32 v8, v4;
	v48 =	vsub.f32 v9, v4  }
0xf6: {  	v12 =	vsel vm12, v12, v47;
	v51 =	vsub.f32 v10, v4;
	v53 =	vsub.f32 v11, v4  }
0xf7: {  	vm13 =	vgt.f32 v11, v12;
	v55 =	vsub.f32 v13, v4;
	v59 =	vsub.f32 v15, v4  }
0xf8: {  	v61 =	vsub.f32 v17, v4;
	v10 =	vsel vm2, $0x2, v58;
	v34 =	vsub.f32 v27, v4  }
0xf9: {  	v37 =	vsub.f32 v5, v4;
	v12 =	vsel vm13, v11, v12;
	v7 =	vmul.f32 $1.442695020e+00, v7  }
0xfa: {  	v41 =	vsub.f32 v3, v4;
	v42 =	vsub.f32 v1, v4;
	v12 =	vsel vm11, v14, v12  }
0xfb: {  	v8 =	vmul.f32 $1.442695020e+00, v8;
	vm14 =	vgt.f32 v13, v12;
	(erf) = vpow2.f32 v7  }
0xfc: {  	v11 =	vmul.f32 $1.442695020e+00, v55;
	v63 =	vmul.f32 $1.442695020e+00, v61;
	v50 =	vsel vm14, v13, v12  }
0xfd: {  	v7 =	vmul.f32 $1.442695020e+00, v48;
	(erf) = vpow2.f32 v8;
	v8 =	vsel vm10, v16, v50  }
0xfe: {  	v38 =	vmul.f32 $1.442695020e+00, v34;
	v9 =	vsel vm14, $0xFFFFFFFF, v49;
	vm3 =	vgt.f32 v15, v8  }
0xff: {  	[tilespmem:$0x1FF70] =	vst v9;
	v9 =	vmul.f32 $1.442695020e+00, v51;
	(erf) = vpow2.f32 v7;
	v52 =	vsel vm3, v15, v8  }
0x100: {  	v45 =	vmul.f32 $1.442695020e+00, v42;
	v12 =	vmul.f32 $1.442695020e+00, v59;
	v7 =	vsel vm9, v18, v52  }
0x101: {  	v8 =	vmul.f32 $1.442695020e+00, v53;
	(erf) = vpow2.f32 v9;
	vm7 =	vgt.f32 v17, v7  }
0x102: {  	v16 =	vsub.f32 v19, v4;
	v9 =	vsel vm7, $0xFFFFFFFF, v56;
	v7 =	vsel vm7, v17, v7  }
0x103: {  	v44 =	vld [tilespmem:$0x1FF60];
	(erf) = vpow2.f32 v8;
	[tilespmem:$0x1FFA0] =	vst v9;
	v7 =	vsel vm8, v20, v7;
	v9 =	vsel vm2, v58, v57  }
0x104: {  	v18 =	vsub.f32 v21, v4;
	vm14 =	vgt.f32 v19, v7;
	v9 =	vsel vm4, $0x3, v9;
	v60 =	vpop (erf)  }
0x105: {  	v20 =	vld [tilespmem:$0x1FF30];
	(erf) = vpow2.f32 v11;
	v7 =	vsel vm14, v19, v7;
	v8 =	vadd.f32 $0.0e+00, v60  }
0x106: {  	v11 =	vmul.f32 $1.442695020e+00, v18;
	v9 =	vsel vm12, v10, v9;
	v10 =	vsel vm12, $0x3, v10;
	v62 =	vpop (erf)  }
0x107: {  	(erf) = vpow2.f32 v12;
	v7 =	vsel vm15, v22, v7;
	v8 =	vadd.f32 v8, v62  }
0x108: {  	v12 =	vmul.f32 $1.442695020e+00, v16;
	v9 =	vsel vm13, $0x4, v9;
	vm13 =	vnez.u8 v44;
	v17 =	vpop (erf)  }
0x109: {  	(erf) = vpow2.f32 v63;
	vm7 =	vgt.f32 v21, v7;
	v8 =	vadd.f32 v8, v17  }
0x10a: {  	v7 =	vsel vm7, v21, v7;
	v19 =	vpop (erf);
	vm2 =	vnez.u8 v20;
	v21 =	vsub.f32 v23, v4  }
0x10b: {  	v47 =	vld [tilespmem:$0x1FF70];
	(erf) = vpow2.f32 v12;
	v7 =	vsel vm2, v24, v7;
	v8 =	vadd.f32 v8, v19  }
0x10c: {  	v9 =	vsel vm11, v10, v9;
	v24 =	vsub.f32 v25, v4;
	v22 =	vpop (erf);
	vm6 =	vgt.f32 v23, v7  }
0x10d: {  	[tilespmem:$0x1FFB0] =	vst v31;
	v49 =	vld [tilespmem:$0x1FF80];
	v31 =	vmul.f32 $1.442695020e+00, v21;
	(erf) = vpow2.f32 v11;
	v8 =	vadd.f32 v8, v22  }
0x10e: {  	v10 =	vsel vm11, $0x4, v10;
	v7 =	vsel vm6, v23, v7;
	v35 =	vmul.f32 $1.442695020e+00, v24;
	v32 =	vpop (erf)  }
0x10f: {  	v7 =	vsel vm1, v26, v7;
	(erf) = vpow2.f32 v31;
	v8 =	vadd.f32 v8, v32  }
0x110: {  	vm11 =	vnez.u8 v47;
	v12 =	vmul.f32 $1.442695020e+00, v37;
	vm5 =	vgt.f32 v25, v7;
	v36 =	vpop (erf)  }
0x111: {  	v7 =	vsel vm5, v25, v7;
	(erf) = vpow2.f32 v35;
	v8 =	vadd.f32 v8, v36  }
0x112: {  	v9 =	vsel vm11, $0x5, v9;
	vm11 =	vnez.u8 v49;
	v7 =	vsel vm0, v28, v7;
	v39 =	vpop (erf)  }
0x113: {  	(erf) = vpow2.f32 v38;
	vm12 =	vgt.f32 v27, v7;
	v8 =	vadd.f32 v8, v39  }
0x114: {  	v9 =	vsel vm10, v10, v9;
	v11 =	vmul.f32 $1.442695020e+00, v41;
	v7 =	vsel vm12, v27, v7;
	v43 =	vpop (erf)  }
0x115: {  	v54 =	vld [tilespmem:$0x1FF90];
	(erf) = vpow2.f32 v12;
	v7 =	vsel vm13, v29, v7;
	v8 =	vadd.f32 v8, v43  }
0x116: {  	v56 =	vld [tilespmem:$0x1FFA0];
	v50 =	vsel vm10, $0x5, v10;
	v9 =	vsel vm3, $0x6, v9;
	v46 =	vpop (erf);
	vm4 =	vgt.f32 v5, v7  }
0x117: {  	(erf) = vpow2.f32 v11;
	v5 =	vsel vm4, v5, v7;
	v8 =	vadd.f32 v8, v46  }
0x118: {  	v53 =	vsel vm9, v50, v9;
	v5 =	vsel vm11, v30, v5;
	v48 =	vpop (erf)  }
0x119: {  	v59 =	vld [tilespmem:$0x1FFB0];
	vm10 =	vgt.f32 v3, v5;
	(erf) = vpow2.f32 v45;
	v7 =	vadd.f32 v8, v48  }
0x11a: {  	v3 =	vsel vm10, v3, v5;
	v51 =	vpop (erf);
	v8 =	vsel vm9, $0x6, v50;
	vm9 =	vnez.u8 v54  }
0x11b: {  	vm3 =	vnez.u8 v56;
	v3 =	vsel vm9, v6, v3;
	v52 =	vadd.f32 v7, v51  }
0x11c: {  	v55 =	vpop (erf);
	v58 =	vsel vm8, $0x7, v8;
	v7 =	vsel vm3, $0x7, v53  }
0x11d: {  	vm3 =	vgt.f32 v1, v3;
	v57 =	vsel vm8, v8, v7;
	v5 =	vadd.f32 v52, v55  }
0x11e: {  	v1 =	vsel vm3, v1, v3;
	v3 =	vpop (erf);
	v6 =	vsel vm14, $0x8, v57;
	vm14 =	vnez.u8 v59  }
0x11f: {  	v1 =	vsel vm14, v2, v1;
	v2 =	vadd.f32 v5, v3;
	v3 =	vsel vm15, v58, v6  }
0x120: {  	v61 =	vsel vm15, $0x8, v58;
	v60 =	vpop (erf);
	v1 =	vsub.f32 v1, v4;
	v3 =	vsel vm7, $0x9, v3  }
0x121: {  	v2 =	vadd.f32 v2, v60;
	v3 =	vsel vm2, v61, v3  }
0x122: {  	v62 =	vpop (erf);
	v5 =	vsel vm2, $0x9, v61;
	v1 =	vmul.f32 $1.442695020e+00, v1;
	v3 =	vsel vm6, $0xA, v3  }
0x123: {  	v2 =	vadd.f32 v2, v62;
	v3 =	vsel vm1, v5, v3  }
0x124: {  	(erf) = vpow2.f32 v1;
	v1 =	vsel vm1, $0xA, v5;
	v3 =	vsel vm5, $0xB, v3  }
0x125: {  	(erf) = vrcp.f32 v2;
	v2 =	vsel vm0, v1, v3  }
0x126: {  	v1 =	vsel vm0, $0xB, v1;
	v2 =	vsel vm12, $0xC, v2  }
0x127: {  	v2 =	vsel vm13, v1, v2  }
0x128: {  	v1 =	vsel vm13, $0xC, v1;
	v2 =	vsel vm4, $0xD, v2  }
0x129: {  	v2 =	vsel vm11, v1, v2  }
0x12a: {  	v1 =	vsel vm11, $0xD, v1;
	v2 =	vsel vm10, $0xE, v2  }
0x12b: {  	v2 =	vsel vm9, v1, v2  }
0x12c: {  	v2 =	vsel vm3, $0xF, v2  }
0x12d: {  	v1 =	vsel vm9, $0xE, v1  }
0x12e: {  	s20 =	sadd.s32 $0x10, s20;
	v3 =	vsel vm14, $0xF, v1;
	v63 =	vpop (erf)  }
0x12f: {  	v1 =	vsel vm14, v1, v2;
	[tilespmem:s20+$0x0] =	vst v3;
	v2 =	vpop (erf)  }
0x130: {  	[tilespmem:s19+$0x0] =	vst v1;
	v1 =	vmul.f32 v2, v63  }
0x131: {  	[tilespmem:s17+$0x0] =	vst v2  }
0x132: {  	[tilespmem:s18+$0x0] =	vst v1  }
0x133: {  	[hbm4b:s4+s10] =	stream.strided.scatter [tilespmem:s12], [sflag:$0x1], $0x100, s11, s10, $0x38;
	[tilespmem:$0x1400] =	vst v63  }
0x134: {  	_ =	swait.ge [sflag:s9], $0x100  }
0x135: {  	[sflag:s9] =	ssyncset.done $0x0  }
0x136: {  	[sflag:s9] =	ssyncadd.s32 $0xFFFFFF00  }
0x137: {  	[hbm4b:s5+s10] =	stream.strided.scatter [tilespmem:s13], [sflag:$0x1], $0x100, s11, s10, $0x38;
	[tilespmem:$0x1400] =	vst v63  }
0x138: {  	_ =	swait.ge [sflag:s9], $0x100  }
0x139: {  	[sflag:s9] =	ssyncset.done $0x0  }
0x13a: {  	[sflag:s9] =	ssyncadd.s32 $0xFFFFFF00  }
0x13b: {  	[hbm4b:s6+s10] =	stream.strided.scatter [tilespmem:s14], [sflag:$0x1], $0x100, s11, s10, $0x38;
	[tilespmem:$0x1400] =	vst v63  }
0x13c: {  	s16 =	sadd.s32 $0x1, s16;
	_ =	swait.ge [sflag:s9], $0x100  }
0x13d: {  	p0 =	sne.s32 s16, s8;
	[sflag:s9] =	ssyncset.done $0x0  }
.Ltmp1:
0x13e: {  	[sflag:s9] =	ssyncadd.s32 $0xFFFFFF00;
	(pc) =	sbr.rel @p0 .LBB2_1-.Ltmp1, $4  }
0x13f: {  	[hbm4b:s7+s10] =	stream.strided.scatter [tilespmem:s15], [sflag:$0x1], $0x100, s11, s10, $0x38;
	[tilespmem:$0x1400] =	vst v63  }
0x140: {  	_ =	swait.ge [sflag:s9], $0x100  }
0x141: {  	[sflag:s9] =	ssyncset.done $0x0  }
0x142: {  	[sflag:s9] =	ssyncadd.s32 $0xFFFFFF00  }
0x143: {  	_ =	sfence.sel $0x180000  }
0x144: {  	[bflag:$0x0] =	sbarrier.arrive $0xFFFF  }
0x145: {  	p0 =	sne.s32 s0, $0x0;
	_ =	strace $0x9000004A  }
0x146: {  	s0 =	sadd.s32 @!p0 $0x100000, s1;
	[bflag:$0x2] =	sbarrier.arrive $0xFFFF  }
0x147: {  	[sflag:s0] =	ssyncadd.tile.s32 @!p0 $0x1;
	_ =	shalt  }
.Lfunc_end2:
_tile_overlayer_lowered:
.L_overlay_start_2:
0x148: {  	(tag) =	ssettag $0x2  }
0x149: {  	s0 =	rddreg [dreg:$0x0];
	s2 =	stileid.u32  }
0x14a: {  	s1 =	rddreg [dreg:$0x1];
	p0 =	sne.s32 s2, $0x0  }
0x14b: {  	s3 =	rddreg [dreg:$0x2];
	[bflag:$0x3] =	sbarrier.arrive $0xFFFF;
	s2 =	simm.s32 @!p0 $0x1C01  }
0x14c: {  	[timem:s3], [sflag:s2] =	dma.local @!p0 [hbm:s0], s1  }
0x14d: {  	s0 =	simm.s32 @!p0 $0x1  }
0x14e: {  	_ =	swait.ge @!p0 [sflag:s0], s1  }
0x14f: {  	s1 =	ssub.s32 @!p0 $0x0, s1;
	[sflag:s0] =	ssyncset.done @!p0 $0x0  }
0x150: {  	[sflag:s0] =	ssyncadd.s32 @!p0 s1  }
0x151: {  	[bflag:$0x3] =	sbarrier.arrive $0xFFFF  }
0x152: {  	_ =	shalt  }

// kernel: kernel.9.cloned.1.call-start
scs
__scs_entry_jumppad:
0x0: {  	(pc) =	sbr.rel $0x88, $3  }
0x1: {  	(tag) =	ssettag $0x0;
	lr =	simm.s32 $0x1  }
0x2: {  	[smem:$0x3F9F] =	sst lr;
	_ =	strace $0xD0000000  }
0x3: {  	_ = 	snop  }
0x4: {  	_ = 	snop  }
0x5: {  	_ = 	snop  }
0x6: {  	_ = 	snop  }
0x7: {  	_ = 	snop  }
__scs_overlays_trampoline_lowered:
0x8: {  	[smem:$0x3FAE] =	sst s0  }
0x9: {  	[smem:$0x3FAF] =	sst s1  }
0xa: {  	[smem:$0x3FB0] =	sst s2  }
0xb: {  	[smem:$0x3FB1] =	sst s3  }
0xc: {  	[smem:$0x3FB2] =	sst s4  }
0xd: {  	[smem:$0x3FB3] =	sst s5  }
0xe: {  	[smem:$0x3FB4] =	sst s6  }
0xf: {  	[smem:$0x3FB5] =	sst s7  }
0x10: {  	[smem:$0x3FB6] =	sst s8  }
0x11: {  	[smem:$0x3FB7] =	sst s9;
	s0 =	simm.s32 @!p0 $0x0  }
0x12: {  	s1 =	sld [smem:$0x3F9D];
	s0 =	simm.s32 @p0 $0x1  }
0x13: {  	[smem:$0x3FB8] =	sst s0;
	s0 =	simm.s32 @!p1 $0x0  }
0x14: {  	s2 =	sld [smem:$0x3F9C];
	s0 =	simm.s32 @p1 $0x1  }
0x15: {  	[smem:$0x3FB9] =	sst s0;
	s0 =	simm.s32 @!p2 $0x0  }
0x16: {  	s3 =	sld [smem:$0x3FDB];
	s0 =	simm.s32 @p2 $0x1  }
0x17: {  	s4 =	simm.s32 $0x1BF5;
	[smem:$0x3FBB] =	sst s0  }
0x18: {  	s0 =	sld [smem:$0x3F9E];
	_ =	swait.ge [sflag:s4], $0x0  }
0x19: {  	s7 =	sld [smem:$0x3F9F]  }
0x1a: {  	s8 =	sadd.s32 $0xFFFFE003, lr  }
0x1b: {  	s9 =	sadd.s32 $0xFFFFFEF7, lr;
	s5 =	simm.s32 $0xFFFFFFFF;
	p2 =	slt.u32 s8, $0xFFFFF086  }
0x1c: {  	p1 =	slt.u32 s9, $0xF7A;
	s5 =	simm.s32 @!p2 $0x0  }
0x1d: {  	s5 =	simm.s32 @p1 $0x1;
	p0 =	seq.s32 s7, s2  }
0x1e: {  	s7 =	smul.u32 @!p0 $0xF7A, s2;
	p2 =	seq.s32 @!p0 s5, $0x0  }
0x1f: {  	s9 =	smul.u32 $0xF7A, s1;
	s8 =	simm.s32 @!p0 $0x1BF5;
	p2 =	por !p2, p0  }
0x20: {  	[sflag:s8] =	ssyncset.s32 @!p0 $0xFFFFF086;
	s6 =	sadd.s32 @!p0 s3, s7;
	s7 =	simm.s32 @!p0 $0x108  }
0x21: {  	s3 =	sadd.s32 s3, s9;
	s6 =	sadd.s32 @!p0 $0x88, s6;
	s7 =	simm.s32 @p2 $0x1082  }
0x22: {  	[simem:s7], [sflag:s8] =	dma.local @!p0 [hbm:s6], $0xF7A  }
0x23: {  	s9 =	sor.u32 $0xD0000000, s2;
	s6 =	simm.s32 $0x108;
	_ =	swait.ge @!p0 [sflag:s8], $0x0  }
0x24: {  	s3 =	sadd.s32 $0x88, s3;
	s6 =	simm.s32 @!p1 $0x1082;
	[sflag:s4] =	ssyncset.s32 $0xFFFFF086  }
0x25: {  	[simem:s6], [sflag:s4] =	dma.local [hbm:s3], $0xF7A  }
0x26: {  	[smem:$0x3F9F] =	sst s1;
	(tag) =	ssettag s2;
	_ =	strace s9  }
0x27: {  	s1 =	sld [smem:$0x3FAF]  }
0x28: {  	s2 =	sld [smem:$0x3FB0]  }
0x29: {  	s4 =	sld [smem:$0x3FB2]  }
0x2a: {  	p0 =	seq.s32 s5, $0x0;
	s5 =	sld [smem:$0x3FB3]  }
0x2b: {  	s6 =	sld [smem:$0x3FB4]  }
0x2c: {  	s7 =	sld [smem:$0x3FB5]  }
0x2d: {  	s3 =	simm.s32 $0x108;
	s8 =	sld [smem:$0x3FB6]  }
0x2e: {  	s3 =	simm.s32 @!p0 $0x1082;
	s9 =	sld [smem:$0x3FB7]  }
0x2f: {  	lr =	sadd.s32 s0, s3;
	s0 =	sld [smem:$0x3FAE]  }
0x30: {  	s3 =	sld [smem:$0x3FB1]  }
0x31: {  	[smem:$0x3FBA] =	sst s10  }
0x32: {  	s10 =	sld [smem:$0x3FB8];
	_ =	sdelay $0x3  }
0x33: {  	p0 =	seq.s32 s10, $0x1;
	s10 =	sld [smem:$0x3FBA];
	_ =	sdelay $0x3  }
0x34: {  	[smem:$0x3FBA] =	sst s10  }
0x35: {  	s10 =	sld [smem:$0x3FB9];
	_ =	sdelay $0x3  }
0x36: {  	p1 =	seq.s32 s10, $0x1;
	s10 =	sld [smem:$0x3FBA];
	_ =	sdelay $0x3  }
0x37: {  	[smem:$0x3FBA] =	sst s10  }
0x38: {  	s10 =	sld [smem:$0x3FBB]  }
0x39: {  	_ = 	snop;
	(pc) =	sbr.ind lr, $3  }
0x3a: {  	_ = 	snop  }
0x3b: {  	_ = 	snop  }
0x3c: {  	p2 =	seq.s32 s10, $0x1;
	s10 =	sld [smem:$0x3FBA]  }
0x3d: {  	_ =	shalt  }
0x3e: {  	_ =	shalt  }
0x3f: {  	_ =	shalt  }
0x40: {  	_ =	shalt  }
0x41: {  	_ =	shalt  }
0x42: {  	_ =	shalt  }
0x43: {  	_ =	shalt  }
0x44: {  	_ =	shalt  }
0x45: {  	_ =	shalt  }
0x46: {  	_ =	shalt  }
0x47: {  	_ =	shalt  }
0x48: {  	_ =	shalt  }
0x49: {  	_ =	shalt  }
0x4a: {  	_ =	shalt  }
0x4b: {  	_ =	shalt  }
0x4c: {  	_ =	shalt  }
0x4d: {  	_ =	shalt  }
0x4e: {  	_ =	shalt  }
0x4f: {  	_ =	shalt  }
0x50: {  	_ =	shalt  }
0x51: {  	_ =	shalt  }
0x52: {  	_ =	shalt  }
0x53: {  	_ =	shalt  }
0x54: {  	_ =	shalt  }
0x55: {  	_ =	shalt  }
0x56: {  	_ =	shalt  }
0x57: {  	_ =	shalt  }
0x58: {  	_ =	shalt  }
0x59: {  	_ =	shalt  }
0x5a: {  	_ =	shalt  }
0x5b: {  	_ =	shalt  }
0x5c: {  	_ =	shalt  }
0x5d: {  	_ =	shalt  }
0x5e: {  	_ =	shalt  }
0x5f: {  	_ =	shalt  }
0x60: {  	_ =	shalt  }
0x61: {  	_ =	shalt  }
0x62: {  	_ =	shalt  }
0x63: {  	_ =	shalt  }
0x64: {  	_ =	shalt  }
0x65: {  	_ =	shalt  }
0x66: {  	_ =	shalt  }
0x67: {  	_ =	shalt  }
0x68: {  	_ =	shalt  }
0x69: {  	_ =	shalt  }
0x6a: {  	_ =	shalt  }
0x6b: {  	_ =	shalt  }
0x6c: {  	_ =	shalt  }
0x6d: {  	_ =	shalt  }
0x6e: {  	_ =	shalt  }
0x6f: {  	_ =	shalt  }
0x70: {  	_ =	shalt  }
0x71: {  	_ =	shalt  }
0x72: {  	_ =	shalt  }
0x73: {  	_ =	shalt  }
0x74: {  	_ =	shalt  }
0x75: {  	_ =	shalt  }
0x76: {  	_ =	shalt  }
0x77: {  	_ =	shalt  }
0x78: {  	_ =	shalt  }
0x79: {  	_ =	shalt  }
0x7a: {  	_ =	shalt  }
0x7b: {  	_ =	shalt  }
0x7c: {  	_ =	shalt  }
0x7d: {  	_ =	shalt  }
0x7e: {  	_ =	shalt  }
0x7f: {  	_ =	shalt  }
0x80: {  	_ =	shalt  }
0x81: {  	_ =	shalt  }
0x82: {  	_ =	shalt  }
0x83: {  	_ =	shalt  }
0x84: {  	_ =	shalt  }
0x85: {  	_ =	shalt  }
0x86: {  	_ =	shalt  }
0x87: {  	_ =	shalt  }
.Lfunc_end0:
.L_simem_size_0:
called_computation.1_lowered:
.L_overlay_start_0:
0x88: {  	s2 =	sld [smem:$0x3FD9]  }
0x89: {  	s3 =	sld [smem:$0x3FFE];
	_ =	sdelay $0x1  }
0x8a: {  	s1 =	srdreg.scid  }
0x8b: {  	s0 =	sand.u32 $0x1, s1  }
0x8c: {  	s16 =	sshll.u32 s0, $0xA;
	s2 =	sadd.s32 s3, s2  }
0x8d: {  	s2 =	sadd.s32 s2, s16  }
0x8e: {  	[smem:$0x3FC6] =	sst s2  }
0x8f: {  	_ = 	snop  }
0x90: {  	(tm) =	ssettm $0x1  }
0x91: {  	s17 =	sld [smem:$0x3FFB];
	_ =	sdelay $0x3  }
0x92: {  	_ =	strace s17  }
0x93: {  	s2 =	sld [smem:$0x3FFC];
	_ =	sdelay $0x3  }
0x94: {  	_ =	strace s2  }
0x95: {  	s2 =	sld [smem:$0x3FFD];
	_ =	sdelay $0x3  }
0x96: {  	_ =	strace s2  }
0x97: {  	_ =	strace $0x8FFFFFFF  }
0x98: {  	s18 =	sld [smem:$0x3FDB];
	_ =	sdelay $0x1  }
0x99: {  	s19 =	simm.s32 $_scs_section_size  }
0x9a: {  	s4 =	simm.s32 $_size__tile_overlayer_lowered;
	s5 =	simm.s32 $_tile_overlayer_lowered  }
0x9b: {  	s22 =	simm.s32 $0x1BFF;
	s21 =	sshll.u32 s5, $0x1;
	s2 =	sadd.s32 s19, s18  }
0x9c: {  	s6 =	simm.s32 $0x0;
	s20 =	sshll.u32 s4, $0x1;
	s4 =	sadd.s32 s21, s2  }
0x9d: {  	[timem:s6], [sflag:s22] =	dma.local [hbm:s4], s20  }
0x9e: {  	_ =	swait.ge [sflag:s22], s20  }
0x9f: {  	s3 =	ssub.s32 $0x0, s20;
	[sflag:s22] =	ssyncset.done $0x0  }
0xa0: {  	[sflag:s22] =	ssyncadd.s32 s3;
	_ =	sdelay $0x1  }
0xa1: {  	s23 =	simm.s32 $0x1B8B  }
0xa2: {  	_ =	swait.ge [sflag:s23], $0x1  }
0xa3: {  	[sflag:s23] =	ssyncset.done $0x0  }
0xa4: {  	s25 =	simm.s32 $0x1B8E;
	s24 =	sld [smem:$0x3FFE];
	[sflag:s23] =	ssyncadd.s32 $0xFFFFFFFF  }
0xa5: {  	s26 =	simm.s32 $execute0_lowered;
	[smem:$0x3FD2] =	sst s25  }
0xa6: {  	s4 =	sshll.u32 s26, $0x1;
	_ =	strace $0x80000046;
	[dreg:$0x1] =	wrdreg $0xFFFFFFFF  }
0xa7: {  	s28 =	simm.s32 $_size_execute0_lowered;
	s2 =	sadd.s32 s2, s4;
	[dreg:$0x0] =	wrdreg $0x0  }
0xa8: {  	s4 =	sshll.u32 s28, $0x1;
	[dreg:$0x2] =	wrdreg s2  }
0xa9: {  	[dreg:$0x3] =	wrdreg s4  }
0xaa: {  	[dreg:$0x4] =	wrdreg $0xC0  }
0xab: {  	_ =	task [dreg:s6], $0x5FFFF  }
0xac: {  	[dreg:$0x1] =	wrdreg $0xFFFFFFFF  }
0xad: {  	[dreg:$0x0] =	wrdreg $0x60  }
0xae: {  	[dreg:$0x2] =	wrdreg s24  }
0xaf: {  	[dreg:$0x3] =	wrdreg $0xA  }
0xb0: {  	_ =	task.clear_ibuf [dreg:s6], $0x4FFFF;
	_ =	strace $0x90000046  }
0xb1: {  	s29 =	simm.s32 $0xA;
	_ =	strace $0x80000048  }
0xb2: {  	_ =	swait.ge [sflag:s29], $0x1  }
0xb3: {  	[sflag:s29] =	ssyncadd.s32 $0xFFFFFFFF  }
0xb4: {  	_ =	strace $0x90000048  }
0xb5: {  	_ =	sfence  }
0xb6: {  	s30 =	sld [smem:$0x0];
	_ =	sdelay $0x2  }
0xb7: {  	s31 =	sshll.u32 s1, $0xD;
	s1 =	sshrl.u32 s1, $0x2  }
0xb8: {  	s3 =	sand.u32 $0x4000, s31;
	s1 =	sadd.s32 s1, s30  }
0xb9: {  	s0 =	sor.u32 s3, s0;
	s1 =	sshll.u32 s1, $0x11  }
0xba: {  	s0 =	sor.u32 s1, s0  }
0xbb: {  	s0 =	sadd.s32 $0x8F2B, s0  }
0xbc: {  	[sflag:s0] =	ssyncadd.remote.s32 $0x1  }
0xbd: {  	_ =	sfence.sel $0xFFFF  }
0xbe: {  	[dreg:$0x0] =	wrdreg $0xFFFFFFFF;
	(pc) =	sbr.abs _section_cstart, $3  }
0xbf: {  	[dreg:$0x1] =	wrdreg $0xFFFFFFFF  }
0xc0: {  	_ =	task.clear_ibuf [dreg:s6], $0x2FFFF;
	_ =	strace $0x9FFFFFFF  }
0xc1: {  	(tm) =	ssettm $0x7FFFFFFF  }
tec
execute0_lowered:
.L_overlay_start_1:
0x0: {  	(tag) =	ssettag $0x1  }
0x1: {  	s1 =	srdreg.scid;
	s0 =	stileid.u32  }
0x2: {  	s3 =	rddreg [dreg:$0x0];
	s2 =	simm.s32 $0x0;
	s9 =	simm.s32 $0x1  }
0x3: {  	s10 =	simm.s32 $0x80;
	s11 =	simm.s32 $0x400;
	s12 =	simm.s32 $0x1000  }
0x4: {  	s13 =	simm.s32 $0x1100;
	s14 =	simm.s32 $0x1200;
	s15 =	simm.s32 $0x1300  }
0x5: {  	s4 =	sand.u32 $0x1, s1;
	s5 =	sshll.u32 s0, $0x1;
	s1 =	rddreg [dreg:$0x1]  }
0x6: {  	s16 =	simm.s32 $0x0;
	[smem:$0x7FF] =	sst s2;
	s5 =	sor.u32 s4, s5  }
0x7: {  	s6 =	sshll.u32 s0, $0x6;
	_ =	strace $0x80000047;
	s7 =	sshll.u32 s5, $0x4  }
0x8: {  	s6 =	sand.u32 $0x300, s6;
	s4 =	ssub.s32 $0x2, s4;
	s7 =	sand.u32 $0x70, s7  }
0x9: {  	s5 =	sshll.u32 s5, $0x9;
	s31 =	sshrl.u32 s4, $0x1;
	s6 =	sor.u32 s6, s7  }
0xa: {  	s5 =	sadd.s32 s5, s3;
	s8 =	ssub.s32 s4, s31;
	s7 =	sadd.s32 s6, s3  }
0xb: {  	s8 =	smax.u32 s8, $0x1;
	s3 =	sadd.s32 $0x1A00, s5;
	s4 =	sadd.s32 $0x5A00, s7  }
0xc: {  	v0 =	vimm.s32 $0x0;
	s5 =	sadd.s32 $0x5E00, s7;
	s6 =	sadd.s32 $0x6200, s7;
	s7 =	sadd.s32 $0x6600, s7  }
.LBB2_1:
0xd: {  	[tilespmem:s2], [sflag:$0x1] =	stream.linear.gather [hbm4b:s3+s2], $0x1000, $0x38;
	[tilespmem:$0x1400] =	vst v63  }
0xe: {  	_ =	swait.ge [sflag:s9], $0x1000  }
0xf: {  	s17 =	sand.u32 $0x70, s2;
	s18 =	sand.u32 $0x400, s2;
	[sflag:s9] =	ssyncset.done $0x0  }
0x10: {  	s17 =	sor.u32 s17, s18;
	[sflag:s9] =	ssyncadd.s32 $0xFFFFF000  }
0x11: {  	v8 =	vld [tilespmem:s17+$0x0];
	_ =	sdelay $0x1  }
0x12: {  	v9 =	vld [tilespmem:s17+$0x80];
	_ =	sdelay $0x2  }
0x13: {  	v10 =	vld [tilespmem:s17+$0x100];
	vm0 =	vgt.f32 v8, $-Inf  }
0x14: {  	v1 =	vnsel vm0, $0xFF800000, v8  }
0x15: {  	v11 =	vld [tilespmem:s17+$0x180];
	vm5 =	vgt.f32 v9, v1  }
0x16: {  	vm4 =	vmneg vm5  }
0x17: {  	v12 =	vld [tilespmem:s17+$0x200];
	v2 =	vsel vm4, v1, v9  }
0x18: {  	vm13 =	vgt.f32 v10, v2  }
0x19: {  	v13 =	vld [tilespmem:s17+$0x280];
	v3 =	vsel vm13, v10, v2  }
0x1a: {  	vm12 =	vgt.f32 v11, v3  }
0x1b: {  	v14 =	vld [tilespmem:s17+$0x300];
	v4 =	vsel vm12, v11, v3  }
0x1c: {  	vm11 =	vgt.f32 v12, v4  }
0x1d: {  	v16 =	vld [tilespmem:s17+$0x380];
	v15 =	vsel vm11, v12, v4  }
0x1e: {  	vm10 =	vgt.f32 v13, v15  }
0x1f: {  	v18 =	vld [tilespmem:s17+$0x800];
	v17 =	vsel vm10, v13, v15  }
0x20: {  	vm9 =	vgt.f32 v14, v17  }
0x21: {  	v20 =	vld [tilespmem:s17+$0x880];
	v19 =	vsel vm9, v14, v17  }
0x22: {  	vm8 =	vgt.f32 v16, v19  }
0x23: {  	v6 =	vimm.s32 $0x0;
	v22 =	vld [tilespmem:s17+$0x900];
	v21 =	vsel vm8, v16, v19  }
0x24: {  	vm2 =	vlt.f32 v9, $-Inf;
	vm3 =	vgt.f32 v9, $-Inf;
	vm7 =	vgt.f32 v18, v21  }
0x25: {  	v55 =	vimm.s32 $0x0;
	v24 =	vld [tilespmem:s17+$0x980];
	vm14 =	vmor vm3, vm2;
	v23 =	vsel vm7, v18, v21  }
0x26: {  	v5 =	vnsel vm14, $0xFF800000, v9;
	v29 =	vsel vm5, $0x1, v0;
	vm6 =	vgt.f32 v20, v23  }
0x27: {  	v26 =	vld [tilespmem:s17+$0xA00];
	v1 =	vsel vm4, v5, v1;
	vm4 =	vmand vm14, vm4;
	v25 =	vsel vm6, v20, v23  }
0x28: {  	vm15 =	vgt.f32 v10, v1;
	v30 =	vsel vm4, $0x1, v0;
	vm3 =	vgt.f32 v22, v25  }
0x29: {  	v54 =	vld [tilespmem:s17+$0xA80];
	v1 =	vsel vm15, v10, v1;
	v30 =	vsel vm15, $0x2, v30;
	v27 =	vsel vm3, v22, v25  }
0x2a: {  	v1 =	vsel vm13, v2, v1;
	v2 =	vimm.s32 $0x0;
	vm0 =	vgt.f32 v24, v27  }
0x2b: {  	v30 =	vsel vm13, v29, v30;
	v2 =	vsel vm0, $0xFFFFFFFF, v2;
	v28 =	vsel vm0, v24, v27  }
0x2c: {  	v29 =	vsel vm13, $0x2, v29;
	vm2 =	vgt.f32 v11, v1;
	[tilespmem:$0x1FFC0] =	vst v2;
	v2 =	vld [tilespmem:s17+$0xB00];
	vm0 =	vgt.f32 v26, v28  }
0x2d: {  	v1 =	vsel vm2, v11, v1;
	v30 =	vsel vm2, $0x3, v30;
	v7 =	vsel vm0, v26, v28  }
0x2e: {  	v3 =	vsel vm12, v3, v1;
	v6 =	vsel vm0, $0xFFFFFFFF, v6;
	vm0 =	vgt.f32 v54, v7  }
0x2f: {  	v1 =	vld [tilespmem:s17+$0xB80];
	v56 =	vsel vm12, v29, v30;
	vm1 =	vgt.f32 v12, v3;
	[tilespmem:$0x1FFD0] =	vst v6;
	v6 =	vsel vm0, $0xFFFFFFFF, v55  }
0x30: {  	v29 =	vsel vm12, $0x3, v29;
	v3 =	vsel vm1, v12, v3;
	[tilespmem:$0x1FFE0] =	vst v6;
	v6 =	vsel vm0, v54, v7  }
0x31: {  	v4 =	vsel vm11, v4, v3;
	v3 =	vimm.s32 $0x0;
	vm0 =	vgt.f32 v2, v6  }
0x32: {  	v60 =	vsel vm11, $0x4, v29;
	vm5 =	vgt.f32 v13, v4;
	v3 =	vsel vm0, $0xFFFFFFFF, v3  }
0x33: {  	v58 =	vsel vm1, $0x4, v56;
	v4 =	vsel vm5, v13, v4;
	[tilespmem:$0x1FFF0] =	vst v3;
	v3 =	vsel vm0, v2, v6  }
0x34: {  	v63 =	vsel vm10, $0x5, v60;
	v15 =	vsel vm10, v15, v4;
	vm4 =	vgt.f32 v1, v3  }
0x35: {  	v59 =	vsel vm11, v29, v58;
	vm14 =	vgt.f32 v14, v15;
	v4 =	vsel vm4, v1, v3  }
0x36: {  	v15 =	vsel vm14, v14, v15;
	v8 =	vsub.f32 v8, v4;
	v9 =	vsub.f32 v9, v4  }
0x37: {  	v15 =	vsel vm9, v17, v15;
	v10 =	vsub.f32 v10, v4;
	v11 =	vsub.f32 v11, v4  }
0x38: {  	v61 =	vsub.f32 v12, v4;
	v62 =	vsub.f32 v13, v4;
	v8 =	vmul.f32 $1.442695020e+00, v8  }
0x39: {  	vm0 =	vgt.f32 v16, v15;
	v17 =	vsub.f32 v14, v4;
	v29 =	vsub.f32 v18, v4  }
0x3a: {  	v50 =	vld [tilespmem:$0x1FFE0];
	v30 =	vsub.f32 v20, v4;
	v9 =	vmul.f32 $1.442695020e+00, v9;
	(erf) = vpow2.f32 v8  }
0x3b: {  	v57 =	vsel vm0, v16, v15;
	v32 =	vsub.f32 v22, v4;
	v35 =	vsub.f32 v24, v4  }
0x3c: {  	v38 =	vsub.f32 v26, v4;
	v10 =	vmul.f32 $1.442695020e+00, v10;
	(erf) = vpow2.f32 v9  }
0x3d: {  	v12 =	vsel vm9, $0x6, v63;
	v40 =	vsub.f32 v54, v4;
	v42 =	vsub.f32 v2, v4  }
0x3e: {  	v11 =	vmul.f32 $1.442695020e+00, v11;
	v8 =	vsel vm8, v19, v57;
	(erf) = vpow2.f32 v10  }
0x3f: {  	v46 =	vsub.f32 v1, v4;
	vm12 =	vnez.u8 v50;
	vm2 =	vgt.f32 v18, v8  }
0x40: {  	v9 =	vsel vm5, $0x5, v59;
	v10 =	vmul.f32 $1.442695020e+00, v61;
	(erf) = vpow2.f32 v11  }
0x41: {  	v13 =	vmul.f32 $1.442695020e+00, v17;
	v8 =	vsel vm2, v18, v8;
	v9 =	vsel vm10, v60, v9  }
0x42: {  	v8 =	vsel vm7, v21, v8;
	v11 =	vmul.f32 $1.442695020e+00, v62;
	(erf) = vpow2.f32 v10  }
0x43: {  	v9 =	vsel vm14, $0x6, v9;
	v21 =	vsub.f32 v16, v4;
	vm5 =	vgt.f32 v20, v8;
	v19 =	vpop (erf)  }
0x44: {  	v8 =	vsel vm5, v20, v8;
	(erf) = vpow2.f32 v11;
	v10 =	vadd.f32 $0.0e+00, v19  }
0x45: {  	v9 =	vsel vm9, v63, v9;
	v14 =	vmul.f32 $1.442695020e+00, v21;
	v8 =	vsel vm6, v23, v8;
	v23 =	vpop (erf)  }
0x46: {  	v37 =	vld [tilespmem:$0x1FFC0];
	vm10 =	vgt.f32 v22, v8;
	(erf) = vpow2.f32 v13;
	v10 =	vadd.f32 v10, v23  }
0x47: {  	v34 =	vsel vm8, $0x7, v12;
	v9 =	vsel vm0, $0x7, v9;
	v8 =	vsel vm10, v22, v8;
	v31 =	vpop (erf)  }
0x48: {  	v11 =	vmul.f32 $1.442695020e+00, v29;
	(erf) = vpow2.f32 v14;
	v10 =	vadd.f32 v10, v31  }
0x49: {  	v48 =	vmul.f32 $1.442695020e+00, v46;
	v9 =	vsel vm8, v12, v9;
	v8 =	vsel vm3, v25, v8;
	v33 =	vpop (erf)  }
0x4a: {  	v13 =	vmul.f32 $1.442695020e+00, v30;
	(erf) = vpow2.f32 v11;
	v10 =	vadd.f32 v10, v33  }
0x4b: {  	vm14 =	vnez.u8 v37;
	v9 =	vsel vm2, $0x8, v9;
	vm9 =	vgt.f32 v24, v8;
	v36 =	vpop (erf)  }
0x4c: {  	v44 =	vld [tilespmem:$0x1FFD0];
	v14 =	vmul.f32 $1.442695020e+00, v32;
	(erf) = vpow2.f32 v13;
	v10 =	vadd.f32 v10, v36  }
0x4d: {  	v12 =	vmul.f32 $1.442695020e+00, v35;
	v9 =	vsel vm7, v34, v9;
	v8 =	vsel vm9, v24, v8;
	v39 =	vpop (erf)  }
0x4e: {  	v8 =	vsel vm14, v27, v8;
	(erf) = vpow2.f32 v14;
	v10 =	vadd.f32 v10, v39  }
0x4f: {  	v9 =	vsel vm5, $0x9, v9;
	v11 =	vsel vm7, $0x8, v34;
	vm15 =	vgt.f32 v26, v8;
	v41 =	vpop (erf)  }
0x50: {  	v13 =	vmul.f32 $1.442695020e+00, v38;
	(erf) = vpow2.f32 v12;
	v10 =	vadd.f32 v10, v41  }
0x51: {  	vm7 =	vnez.u8 v44;
	v9 =	vsel vm6, v11, v9;
	v8 =	vsel vm15, v26, v8;
	v43 =	vpop (erf)  }
0x52: {  	v14 =	vmul.f32 $1.442695020e+00, v40;
	(erf) = vpow2.f32 v13;
	v10 =	vadd.f32 v10, v43  }
0x53: {  	v11 =	vsel vm6, $0x9, v11;
	v9 =	vsel vm10, $0xA, v9;
	v8 =	vsel vm7, v28, v8;
	v45 =	vpop (erf)  }
0x54: {  	v56 =	vld [tilespmem:$0x1FFF0];
	v12 =	vmul.f32 $1.442695020e+00, v42;
	(erf) = vpow2.f32 v14;
	v10 =	vadd.f32 v10, v45  }
0x55: {  	v52 =	vsel vm3, $0xA, v11;
	v9 =	vsel vm3, v11, v9;
	vm11 =	vgt.f32 v54, v8;
	v47 =	vpop (erf)  }
0x56: {  	v5 =	vsel vm11, v54, v8;
	(erf) = vpow2.f32 v12;
	v10 =	vadd.f32 v10, v47  }
0x57: {  	v55 =	vsel vm14, $0xB, v52;
	v9 =	vsel vm9, $0xB, v9;
	v5 =	vsel vm12, v7, v5;
	v49 =	vpop (erf)  }
0x58: {  	vm13 =	vgt.f32 v2, v5;
	(erf) = vpow2.f32 v48;
	v51 =	vadd.f32 v10, v49  }
0x59: {  	v8 =	vsel vm14, v52, v9;
	vm14 =	vnez.u8 v56;
	v2 =	vsel vm13, v2, v5;
	v53 =	vpop (erf)  }
0x5a: {  	v2 =	vsel vm14, v6, v2;
	v54 =	vadd.f32 v51, v53  }
0x5b: {  	v57 =	vpop (erf)  }
0x5c: {  	v8 =	vsel vm15, $0xC, v8;
	vm15 =	vgt.f32 v1, v2;
	v5 =	vadd.f32 v54, v57  }
0x5d: {  	v1 =	vsel vm15, v1, v2;
	v2 =	vpop (erf)  }
0x5e: {  	v1 =	vsel vm4, v3, v1;
	v2 =	vadd.f32 v5, v2  }
0x5f: {  	v1 =	vsub.f32 v1, v4;
	v59 =	vpop (erf)  }
0x60: {  	v2 =	vadd.f32 v2, v59  }
0x61: {  	v1 =	vmul.f32 $1.442695020e+00, v1;
	v62 =	vpop (erf)  }
0x62: {  	v7 =	vsel vm7, v55, v8;
	v2 =	vadd.f32 v2, v62  }
0x63: {  	v58 =	vsel vm7, $0xC, v55;
	v7 =	vsel vm11, $0xD, v7;
	(erf) = vpow2.f32 v1  }
0x64: {  	v3 =	vsel vm12, v58, v7;
	(erf) = vrcp.f32 v2  }
0x65: {  	v60 =	vsel vm12, $0xD, v58;
	v3 =	vsel vm13, $0xE, v3  }
0x66: {  	s19 =	simm.s32 $0x10;
	s28 =	simm.s32 $0x20;
	v61 =	vsel vm14, $0xE, v60;
	v3 =	vsel vm14, v60, v3  }
0x67: {  	s21 =	simm.s32 $0x80;
	s20 =	simm.s32 $0x1000;
	s23 =	simm.s32 $0x1200;
	v63 =	vsel vm4, $0xF, v61;
	v3 =	vsel vm15, $0xF, v3  }
0x68: {  	s22 =	simm.s32 $0x1300;
	s18 =	simm.s32 $0x1310;
	s25 =	sand.u32 $0x70, s19;
	[tilespmem:s12+$0x0] =	vst v63;
	v3 =	vsel vm4, v61, v3  }
0x69: {  	s26 =	sand.u32 $0x400, s21;
	s19 =	simm.s32 $0x1110;
	s17 =	simm.s32 $0x1210;
	[tilespmem:s13+$0x0] =	vst v3  }
.LBB2_2:
0x6a: {  	s26 =	sor.u32 s25, s26  }
0x6b: {  	s20 =	sadd.s32 $0x10, s20;
	s25 =	smov.u32 s28;
	s24 =	sadd.s32 $0x10, s28  }
0x6c: {  	p0 =	sne.s32 s28, $0xF0;
	v1 =	vpop (erf)  }
0x6d: {  	v2 =	vpop (erf)  }
0x6e: {  	[tilespmem:s23+$0x0] =	vst v2;
	v1 =	vmul.f32 v2, v1;
	s23 =	smov.u32 s17;
	_ =	sdelay $0x1  }
0x6f: {  	[tilespmem:s22+$0x0] =	vst v1;
	s22 =	smov.u32 s18  }
0x70: {  	v2 =	vld [tilespmem:s26+$0x0]  }
0x71: {  	v1 =	vld [tilespmem:s26+$0x80];
	_ =	sdelay $0x2  }
0x72: {  	v3 =	vld [tilespmem:s26+$0x100]  }
0x73: {  	vm0 =	vgt.f32 v2, $-Inf  }
0x74: {  	v5 =	vnsel vm0, $0xFF800000, v2;
	vm0 =	vlt.f32 v1, $-Inf;
	vm1 =	vgt.f32 v1, $-Inf;
	v4 =	vld [tilespmem:s26+$0x180]  }
0x75: {  	vm2 =	vgt.f32 v1, v5;
	vm0 =	vmor vm1, vm0  }
0x76: {  	vm1 =	vmneg vm2;
	v6 =	vnsel vm0, $0xFF800000, v1;
	v7 =	vsel vm2, $0x1, v0  }
0x77: {  	v6 =	vsel vm1, v6, v5;
	vm0 =	vmand vm0, vm1;
	v8 =	vsel vm1, v5, v1;
	v5 =	vld [tilespmem:s26+$0x200]  }
0x78: {  	v9 =	vsel vm0, $0x1, v0;
	vm0 =	vgt.f32 v3, v8;
	vm1 =	vgt.f32 v3, v6  }
0x79: {  	v10 =	vsel vm1, v3, v6;
	v9 =	vsel vm1, $0x2, v9;
	v11 =	vsel vm0, v3, v8;
	v6 =	vld [tilespmem:s26+$0x280]  }
0x7a: {  	v8 =	vsel vm0, v8, v10;
	v9 =	vsel vm0, v7, v9;
	vm1 =	vgt.f32 v4, v11  }
0x7b: {  	v7 =	vsel vm0, $0x2, v7;
	vm0 =	vgt.f32 v4, v8;
	v10 =	vsel vm1, v4, v11;
	v12 =	vld [tilespmem:s26+$0x300]  }
0x7c: {  	v8 =	vsel vm0, v4, v8;
	v9 =	vsel vm0, $0x3, v9;
	vm0 =	vgt.f32 v5, v10  }
0x7d: {  	v8 =	vsel vm1, v11, v8;
	v11 =	vsel vm1, $0x3, v7;
	v13 =	vsel vm0, v5, v10;
	v14 =	vld [tilespmem:s26+$0x380]  }
0x7e: {  	v7 =	vsel vm1, v7, v9;
	vm1 =	vgt.f32 v5, v8;
	vm3 =	vgt.f32 v6, v13  }
0x7f: {  	v8 =	vsel vm1, v5, v8;
	v7 =	vsel vm1, $0x4, v7;
	v9 =	vsel vm3, v6, v13;
	v15 =	vld [tilespmem:s26+$0x800]  }
0x80: {  	v8 =	vsel vm0, v10, v8;
	v7 =	vsel vm0, v11, v7;
	vm4 =	vgt.f32 v12, v9  }
0x81: {  	v10 =	vsel vm0, $0x4, v11;
	vm0 =	vgt.f32 v6, v8;
	v11 =	vsel vm4, v12, v9;
	v16 =	vld [tilespmem:s26+$0x880]  }
0x82: {  	v8 =	vsel vm0, v6, v8;
	v7 =	vsel vm0, $0x5, v7;
	vm2 =	vgt.f32 v14, v11  }
0x83: {  	v8 =	vsel vm3, v13, v8;
	v13 =	vsel vm3, $0x5, v10;
	v17 =	vsel vm2, v14, v11;
	v18 =	vld [tilespmem:s26+$0x900]  }
0x84: {  	v7 =	vsel vm3, v10, v7;
	vm0 =	vgt.f32 v12, v8;
	vm1 =	vgt.f32 v15, v17  }
0x85: {  	v8 =	vsel vm0, v12, v8;
	v7 =	vsel vm0, $0x6, v7;
	v10 =	vsel vm1, v15, v17;
	v19 =	vld [tilespmem:s26+$0x980]  }
0x86: {  	v8 =	vsel vm4, v9, v8;
	v7 =	vsel vm4, v13, v7;
	vm0 =	vgt.f32 v16, v10  }
0x87: {  	v9 =	vsel vm4, $0x6, v13;
	vm3 =	vgt.f32 v14, v8;
	v13 =	vsel vm0, v16, v10;
	v20 =	vld [tilespmem:s26+$0xA00]  }
0x88: {  	v8 =	vsel vm3, v14, v8;
	v7 =	vsel vm3, $0x7, v7;
	vm6 =	vgt.f32 v18, v13  }
0x89: {  	v8 =	vsel vm2, v11, v8;
	v7 =	vsel vm2, v9, v7;
	v11 =	vsel vm6, v18, v13;
	v21 =	vld [tilespmem:s26+$0xA80]  }
0x8a: {  	v9 =	vsel vm2, $0x7, v9;
	vm2 =	vgt.f32 v15, v8;
	vm4 =	vgt.f32 v19, v11  }
0x8b: {  	v8 =	vsel vm2, v15, v8;
	v7 =	vsel vm2, $0x8, v7;
	v22 =	vsel vm4, v19, v11;
	v23 =	vld [tilespmem:s26+$0xB00]  }
0x8c: {  	v8 =	vsel vm1, v17, v8;
	v7 =	vsel vm1, v9, v7;
	vm3 =	vgt.f32 v20, v22  }
0x8d: {  	v9 =	vsel vm1, $0x8, v9;
	vm1 =	vgt.f32 v16, v8;
	v17 =	vsel vm3, v20, v22;
	v24 =	vld [tilespmem:s26+$0xB80]  }
0x8e: {  	v8 =	vsel vm1, v16, v8;
	v7 =	vsel vm1, $0x9, v7;
	vm2 =	vgt.f32 v21, v17  }
0x8f: {  	v8 =	vsel vm0, v10, v8;
	v10 =	vsel vm0, $0x9, v9;
	v25 =	vsel vm2, v21, v17  }
0x90: {  	v7 =	vsel vm0, v9, v7;
	vm1 =	vgt.f32 v18, v8;
	vm0 =	vgt.f32 v23, v25  }
0x91: {  	v9 =	vsel vm6, $0xA, v10;
	v8 =	vsel vm1, v18, v8;
	v26 =	vsel vm0, v23, v25  }
0x92: {  	v7 =	vsel vm1, $0xA, v7;
	v8 =	vsel vm6, v13, v8;
	vm1 =	vgt.f32 v24, v26  }
0x93: {  	v13 =	vsel vm4, $0xB, v9;
	vm5 =	vgt.f32 v19, v8;
	v27 =	vsel vm1, v24, v26  }
0x94: {  	v8 =	vsel vm5, v19, v8;
	v2 =	vsub.f32 v2, v27;
	v12 =	vsub.f32 v12, v27  }
0x95: {  	v1 =	vsub.f32 v1, v27;
	v3 =	vsub.f32 v3, v27;
	v8 =	vsel vm4, v11, v8  }
0x96: {  	v4 =	vsub.f32 v4, v27;
	v2 =	vmul.f32 $1.442695020e+00, v2;
	v11 =	vmul.f32 $1.442695020e+00, v12  }
0x97: {  	v7 =	vsel vm6, v10, v7;
	v5 =	vsub.f32 v5, v27;
	v6 =	vsub.f32 v6, v27  }
0x98: {  	v10 =	vsub.f32 v14, v27;
	v1 =	vmul.f32 $1.442695020e+00, v1;
	(erf) = vpow2.f32 v2  }
0x99: {  	v2 =	vmul.f32 $1.442695020e+00, v3;
	v3 =	vmul.f32 $1.442695020e+00, v5;
	v5 =	vsub.f32 v15, v27  }
0x9a: {  	v4 =	vmul.f32 $1.442695020e+00, v4;
	v12 =	vsub.f32 v16, v27;
	(erf) = vpow2.f32 v1  }
0x9b: {  	v1 =	vmul.f32 $1.442695020e+00, v6;
	v6 =	vmul.f32 $1.442695020e+00, v10;
	v10 =	vsub.f32 v18, v27  }
0x9c: {  	v14 =	vsub.f32 v19, v27;
	v5 =	vmul.f32 $1.442695020e+00, v5;
	(erf) = vpow2.f32 v2  }
0x9d: {  	v2 =	vmul.f32 $1.442695020e+00, v12;
	v10 =	vmul.f32 $1.442695020e+00, v10;
	v12 =	vsub.f32 v20, v27  }
0x9e: {  	v14 =	vmul.f32 $1.442695020e+00, v14;
	v15 =	vsub.f32 v21, v27;
	(erf) = vpow2.f32 v4  }
0x9f: {  	vm6 =	vgt.f32 v20, v8;
	v4 =	vmul.f32 $1.442695020e+00, v12;
	v12 =	vsub.f32 v23, v27  }
0xa0: {  	v8 =	vsel vm6, v20, v8;
	v15 =	vmul.f32 $1.442695020e+00, v15;
	(erf) = vpow2.f32 v3  }
0xa1: {  	v18 =	vsub.f32 v24, v27;
	v3 =	vsel vm3, v22, v8;
	v8 =	vmul.f32 $1.442695020e+00, v12;
	v16 =	vpop (erf)  }
0xa2: {  	vm7 =	vgt.f32 v21, v3;
	v16 =	vadd.f32 $0.0e+00, v16;
	(erf) = vpow2.f32 v1  }
0xa3: {  	v1 =	vsel vm5, $0xB, v7;
	v3 =	vsel vm7, v21, v3;
	v7 =	vmul.f32 $1.442695020e+00, v18;
	v12 =	vpop (erf)  }
0xa4: {  	v3 =	vsel vm2, v17, v3;
	v12 =	vadd.f32 v16, v12;
	(erf) = vpow2.f32 v11  }
0xa5: {  	v1 =	vsel vm4, v9, v1;
	v9 =	vsel vm3, $0xC, v13;
	vm4 =	vgt.f32 v23, v3;
	v11 =	vpop (erf)  }
0xa6: {  	v3 =	vsel vm4, v23, v3;
	v11 =	vadd.f32 v12, v11;
	(erf) = vpow2.f32 v6  }
0xa7: {  	v1 =	vsel vm6, $0xC, v1;
	v3 =	vsel vm0, v25, v3;
	v6 =	vpop (erf)  }
0xa8: {  	v1 =	vsel vm3, v13, v1;
	v6 =	vadd.f32 v11, v6;
	(erf) = vpow2.f32 v5  }
0xa9: {  	v1 =	vsel vm7, $0xD, v1;
	vm3 =	vgt.f32 v24, v3;
	v5 =	vpop (erf)  }
0xaa: {  	v11 =	vsel vm3, v24, v3;
	v5 =	vadd.f32 v6, v5;
	(erf) = vpow2.f32 v2  }
0xab: {  	v1 =	vsel vm2, v9, v1;
	v2 =	vsel vm1, v26, v11;
	v3 =	vpop (erf)  }
0xac: {  	v2 =	vsub.f32 v2, v27;
	v3 =	vadd.f32 v5, v3;
	(erf) = vpow2.f32 v10  }
0xad: {  	v1 =	vsel vm4, $0xE, v1;
	v5 =	vsel vm2, $0xD, v9;
	v6 =	vpop (erf)  }
0xae: {  	v2 =	vmul.f32 $1.442695020e+00, v2;
	v3 =	vadd.f32 v3, v6;
	(erf) = vpow2.f32 v14  }
0xaf: {  	v1 =	vsel vm0, v5, v1;
	v9 =	vsel vm0, $0xE, v5;
	v6 =	vpop (erf)  }
0xb0: {  	v1 =	vsel vm3, $0xF, v1;
	v3 =	vadd.f32 v3, v6;
	(erf) = vpow2.f32 v4  }
0xb1: {  	v6 =	vsel vm1, v9, v1;
	v4 =	vsel vm1, $0xF, v9;
	v5 =	vpop (erf)  }
0xb2: {  	v5 =	vadd.f32 v3, v5;
	[tilespmem:s20+$0x0] =	vst v4;
	(erf) = vpow2.f32 v15  }
0xb3: {  	[tilespmem:s19+$0x0] =	vst v6;
	v1 =	vpop (erf)  }
0xb4: {  	v1 =	vadd.f32 v5, v1;
	(erf) = vpow2.f32 v8  }
0xb5: {  	v3 =	vpop (erf)  }
0xb6: {  	v1 =	vadd.f32 v1, v3;
	(erf) = vpow2.f32 v7  }
0xb7: {  	v3 =	vpop (erf)  }
0xb8: {  	v1 =	vadd.f32 v1, v3  }
0xb9: {  	v3 =	vpop (erf)  }
0xba: {  	v1 =	vadd.f32 v1, v3  }
0xbb: {  	v3 =	vpop (erf)  }
0xbc: {  	v1 =	vadd.f32 v1, v3  }
0xbd: {  	v3 =	vpop (erf)  }
0xbe: {  	v1 =	vadd.f32 v1, v3  }
0xbf: {  	v3 =	vpop (erf)  }
0xc0: {  	v1 =	vadd.f32 v1, v3  }
0xc1: {  	(erf) = vpow2.f32 v2  }
0xc2: {  	(erf) = vrcp.f32 v1;
	_ =	sdelay $0x1  }
.Ltmp0:
0xc3: {  	(pc) =	sbr.rel @p0 .LBB2_2-.Ltmp0, $4  }
0xc4: {  	_ = 	snop  }
0xc5: {  	s21 =	sadd.s32 $0x80, s21  }
0xc6: {  	s25 =	sand.u32 $0x70, s25;
	s17 =	sadd.s32 $0x10, s17;
	s18 =	sadd.s32 $0x10, s18  }
0xc7: {  	s28 =	smov.u32 s24;
	s26 =	sand.u32 $0x400, s21;
	s19 =	sadd.s32 $0x10, s19  }
0xc8: {  	_ = 	snop  }
0xc9: {  	v1 =	vpop (erf)  }
0xca: {  	v2 =	vpop (erf)  }
0xcb: {  	v1 =	vmul.f32 v2, v1  }
0xcc: {  	[tilespmem:s23+$0x0] =	vst v2  }
0xcd: {  	s21 =	sor.u32 s25, s26;
	[tilespmem:s22+$0x0] =	vst v1  }
0xce: {  	v7 =	vld [tilespmem:s21+$0x0];
	_ =	sdelay $0x1  }
0xcf: {  	v8 =	vld [tilespmem:s21+$0x80];
	_ =	sdelay $0x2  }
0xd0: {  	v9 =	vld [tilespmem:s21+$0x100];
	vm0 =	vgt.f32 v7, $-Inf  }
0xd1: {  	v2 =	vnsel vm0, $0xFF800000, v7  }
0xd2: {  	v10 =	vld [tilespmem:s21+$0x180];
	vm5 =	vgt.f32 v8, v2  }
0xd3: {  	vm3 =	vmneg vm5  }
0xd4: {  	v11 =	vld [tilespmem:s21+$0x200];
	v4 =	vsel vm3, v2, v8  }
0xd5: {  	vm2 =	vgt.f32 v9, v4  }
0xd6: {  	v13 =	vld [tilespmem:s21+$0x280];
	v12 =	vsel vm2, v9, v4  }
0xd7: {  	vm12 =	vgt.f32 v10, v12  }
0xd8: {  	v15 =	vld [tilespmem:s21+$0x300];
	v14 =	vsel vm12, v10, v12  }
0xd9: {  	vm11 =	vgt.f32 v11, v14  }
0xda: {  	v17 =	vld [tilespmem:s21+$0x380];
	v16 =	vsel vm11, v11, v14  }
0xdb: {  	vm10 =	vgt.f32 v13, v16  }
0xdc: {  	v19 =	vld [tilespmem:s21+$0x800];
	v18 =	vsel vm10, v13, v16  }
0xdd: {  	vm9 =	vgt.f32 v15, v18  }
0xde: {  	v21 =	vld [tilespmem:s21+$0x880];
	v20 =	vsel vm9, v15, v18  }
0xdf: {  	vm8 =	vgt.f32 v17, v20  }
0xe0: {  	v23 =	vld [tilespmem:s21+$0x900];
	v22 =	vsel vm8, v17, v20  }
0xe1: {  	vm15 =	vgt.f32 v19, v22  }
0xe2: {  	v25 =	vld [tilespmem:s21+$0x980];
	v24 =	vsel vm15, v19, v22  }
0xe3: {  	v1 =	vimm.s32 $0x0;
	vm4 =	vgt.f32 v21, v24  }
0xe4: {  	v27 =	vld [tilespmem:s21+$0xA00];
	v1 =	vsel vm4, $0xFFFFFFFF, v1;
	v26 =	vsel vm4, v21, v24  }
0xe5: {  	v45 =	vimm.s32 $0x0;
	[tilespmem:$0x1FF30] =	vst v1;
	vm0 =	vgt.f32 v23, v26;
	v1 =	vimm.s32 $0x0  }
0xe6: {  	v31 =	vimm.s32 $0x0;
	v5 =	vld [tilespmem:s21+$0xA80];
	v1 =	vsel vm0, $0xFFFFFFFF, v1;
	v28 =	vsel vm0, v23, v26  }
0xe7: {  	v46 =	vimm.s32 $0x0;
	[tilespmem:$0x1FF40] =	vst v1;
	vm4 =	vgt.f32 v25, v28;
	v1 =	vimm.s32 $0x0  }
0xe8: {  	vm6 =	vlt.f32 v8, $-Inf;
	v1 =	vsel vm4, $0xFFFFFFFF, v1;
	v29 =	vsel vm4, v25, v28  }
0xe9: {  	v3 =	vld [tilespmem:s21+$0xB00];
	vm1 =	vgt.f32 v8, $-Inf;
	[tilespmem:$0x1FF50] =	vst v1;
	vm7 =	vgt.f32 v27, v29;
	v1 =	vimm.s32 $0x0  }
0xea: {  	vm0 =	vmor vm1, vm6;
	v1 =	vsel vm7, $0xFFFFFFFF, v1;
	v30 =	vsel vm7, v27, v29  }
0xeb: {  	v49 =	vimm.s32 $0x0;
	v6 =	vnsel vm0, $0xFF800000, v8;
	[tilespmem:$0x1FF60] =	vst v1;
	v1 =	vld [tilespmem:s21+$0xB80];
	vm13 =	vgt.f32 v5, v30  }
0xec: {  	v56 =	vimm.s32 $0x0;
	v2 =	vsel vm3, v6, v2;
	v33 =	vld [tilespmem:$0x1FF40];
	v6 =	vsel vm13, $0xFFFFFFFF, v45  }
0xed: {  	v58 =	vsel vm5, $0x1, v0;
	vm1 =	vgt.f32 v9, v2;
	v40 =	vld [tilespmem:$0x1FF50];
	[tilespmem:$0x1FF80] =	vst v6;
	v6 =	vsel vm13, v5, v30  }
0xee: {  	vm0 =	vmand vm0, vm3;
	v2 =	vsel vm1, v9, v2;
	vm4 =	vgt.f32 v3, v6  }
0xef: {  	v54 =	vsel vm0, $0x1, v0;
	v4 =	vsel vm2, v4, v2;
	v2 =	vsel vm4, v3, v6  }
0xf0: {  	v31 =	vsel vm4, $0xFFFFFFFF, v31;
	vm4 =	vgt.f32 v10, v4;
	vm6 =	vgt.f32 v1, v2  }
0xf1: {  	v57 =	vsel vm1, $0x2, v54;
	v47 =	vsel vm4, v10, v4;
	v4 =	vsel vm6, v1, v2  }
0xf2: {  	vm1 =	vnez.u8 v33;
	vm0 =	vnez.u8 v40;
	v7 =	vsub.f32 v7, v4  }
0xf3: {  	[tilespmem:$0x1FF90] =	vst v31;
	v31 =	vsel vm6, $0xFFFFFFFF, v46;
	v8 =	vsub.f32 v8, v4;
	v48 =	vsub.f32 v9, v4  }
0xf4: {  	v12 =	vsel vm12, v12, v47;
	v51 =	vsub.f32 v10, v4;
	v53 =	vsub.f32 v11, v4  }
0xf5: {  	vm13 =	vgt.f32 v11, v12;
	v55 =	vsub.f32 v13, v4;
	v59 =	vsub.f32 v15, v4  }
0xf6: {  	v61 =	vsub.f32 v17, v4;
	v10 =	vsel vm2, $0x2, v58;
	v34 =	vsub.f32 v27, v4  }
0xf7: {  	v37 =	vsub.f32 v5, v4;
	v12 =	vsel vm13, v11, v12;
	v7 =	vmul.f32 $1.442695020e+00, v7  }
0xf8: {  	v41 =	vsub.f32 v3, v4;
	v42 =	vsub.f32 v1, v4;
	v12 =	vsel vm11, v14, v12  }
0xf9: {  	v8 =	vmul.f32 $1.442695020e+00, v8;
	vm14 =	vgt.f32 v13, v12;
	(erf) = vpow2.f32 v7  }
0xfa: {  	v11 =	vmul.f32 $1.442695020e+00, v55;
	v63 =	vmul.f32 $1.442695020e+00, v61;
	v50 =	vsel vm14, v13, v12  }
0xfb: {  	v7 =	vmul.f32 $1.442695020e+00, v48;
	(erf) = vpow2.f32 v8;
	v8 =	vsel vm10, v16, v50  }
0xfc: {  	v38 =	vmul.f32 $1.442695020e+00, v34;
	v9 =	vsel vm14, $0xFFFFFFFF, v49;
	vm3 =	vgt.f32 v15, v8  }
0xfd: {  	[tilespmem:$0x1FF70] =	vst v9;
	v9 =	vmul.f32 $1.442695020e+00, v51;
	(erf) = vpow2.f32 v7;
	v52 =	vsel vm3, v15, v8  }
0xfe: {  	v45 =	vmul.f32 $1.442695020e+00, v42;
	v12 =	vmul.f32 $1.442695020e+00, v59;
	v7 =	vsel vm9, v18, v52  }
0xff: {  	v8 =	vmul.f32 $1.442695020e+00, v53;
	(erf) = vpow2.f32 v9;
	vm7 =	vgt.f32 v17, v7  }
0x100: {  	v16 =	vsub.f32 v19, v4;
	v9 =	vsel vm7, $0xFFFFFFFF, v56;
	v7 =	vsel vm7, v17, v7  }
0x101: {  	v44 =	vld [tilespmem:$0x1FF60];
	(erf) = vpow2.f32 v8;
	[tilespmem:$0x1FFA0] =	vst v9;
	v7 =	vsel vm8, v20, v7;
	v9 =	vsel vm2, v58, v57  }
0x102: {  	v18 =	vsub.f32 v21, v4;
	vm14 =	vgt.f32 v19, v7;
	v9 =	vsel vm4, $0x3, v9;
	v60 =	vpop (erf)  }
0x103: {  	v20 =	vld [tilespmem:$0x1FF30];
	(erf) = vpow2.f32 v11;
	v7 =	vsel vm14, v19, v7;
	v8 =	vadd.f32 $0.0e+00, v60  }
0x104: {  	v11 =	vmul.f32 $1.442695020e+00, v18;
	v9 =	vsel vm12, v10, v9;
	v10 =	vsel vm12, $0x3, v10;
	v62 =	vpop (erf)  }
0x105: {  	(erf) = vpow2.f32 v12;
	v7 =	vsel vm15, v22, v7;
	v8 =	vadd.f32 v8, v62  }
0x106: {  	v12 =	vmul.f32 $1.442695020e+00, v16;
	v9 =	vsel vm13, $0x4, v9;
	vm13 =	vnez.u8 v44;
	v17 =	vpop (erf)  }
0x107: {  	(erf) = vpow2.f32 v63;
	vm7 =	vgt.f32 v21, v7;
	v8 =	vadd.f32 v8, v17  }
0x108: {  	v7 =	vsel vm7, v21, v7;
	v19 =	vpop (erf);
	vm2 =	vnez.u8 v20;
	v21 =	vsub.f32 v23, v4  }
0x109: {  	v47 =	vld [tilespmem:$0x1FF70];
	(erf) = vpow2.f32 v12;
	v7 =	vsel vm2, v24, v7;
	v8 =	vadd.f32 v8, v19  }
0x10a: {  	v9 =	vsel vm11, v10, v9;
	v24 =	vsub.f32 v25, v4;
	v22 =	vpop (erf);
	vm6 =	vgt.f32 v23, v7  }
0x10b: {  	[tilespmem:$0x1FFB0] =	vst v31;
	v49 =	vld [tilespmem:$0x1FF80];
	v31 =	vmul.f32 $1.442695020e+00, v21;
	(erf) = vpow2.f32 v11;
	v8 =	vadd.f32 v8, v22  }
0x10c: {  	v10 =	vsel vm11, $0x4, v10;
	v7 =	vsel vm6, v23, v7;
	v35 =	vmul.f32 $1.442695020e+00, v24;
	v32 =	vpop (erf)  }
0x10d: {  	v7 =	vsel vm1, v26, v7;
	(erf) = vpow2.f32 v31;
	v8 =	vadd.f32 v8, v32  }
0x10e: {  	vm11 =	vnez.u8 v47;
	v12 =	vmul.f32 $1.442695020e+00, v37;
	vm5 =	vgt.f32 v25, v7;
	v36 =	vpop (erf)  }
0x10f: {  	v7 =	vsel vm5, v25, v7;
	(erf) = vpow2.f32 v35;
	v8 =	vadd.f32 v8, v36  }
0x110: {  	v9 =	vsel vm11, $0x5, v9;
	vm11 =	vnez.u8 v49;
	v7 =	vsel vm0, v28, v7;
	v39 =	vpop (erf)  }
0x111: {  	(erf) = vpow2.f32 v38;
	vm12 =	vgt.f32 v27, v7;
	v8 =	vadd.f32 v8, v39  }
0x112: {  	v9 =	vsel vm10, v10, v9;
	v11 =	vmul.f32 $1.442695020e+00, v41;
	v7 =	vsel vm12, v27, v7;
	v43 =	vpop (erf)  }
0x113: {  	v54 =	vld [tilespmem:$0x1FF90];
	(erf) = vpow2.f32 v12;
	v7 =	vsel vm13, v29, v7;
	v8 =	vadd.f32 v8, v43  }
0x114: {  	v56 =	vld [tilespmem:$0x1FFA0];
	v50 =	vsel vm10, $0x5, v10;
	v9 =	vsel vm3, $0x6, v9;
	v46 =	vpop (erf);
	vm4 =	vgt.f32 v5, v7  }
0x115: {  	(erf) = vpow2.f32 v11;
	v5 =	vsel vm4, v5, v7;
	v8 =	vadd.f32 v8, v46  }
0x116: {  	v53 =	vsel vm9, v50, v9;
	v5 =	vsel vm11, v30, v5;
	v48 =	vpop (erf)  }
0x117: {  	v59 =	vld [tilespmem:$0x1FFB0];
	vm10 =	vgt.f32 v3, v5;
	(erf) = vpow2.f32 v45;
	v7 =	vadd.f32 v8, v48  }
0x118: {  	v3 =	vsel vm10, v3, v5;
	v51 =	vpop (erf);
	v8 =	vsel vm9, $0x6, v50;
	vm9 =	vnez.u8 v54  }
0x119: {  	vm3 =	vnez.u8 v56;
	v3 =	vsel vm9, v6, v3;
	v52 =	vadd.f32 v7, v51  }
0x11a: {  	v55 =	vpop (erf);
	v58 =	vsel vm8, $0x7, v8;
	v7 =	vsel vm3, $0x7, v53  }
0x11b: {  	vm3 =	vgt.f32 v1, v3;
	v57 =	vsel vm8, v8, v7;
	v5 =	vadd.f32 v52, v55  }
0x11c: {  	v1 =	vsel vm3, v1, v3;
	v3 =	vpop (erf);
	v6 =	vsel vm14, $0x8, v57;
	vm14 =	vnez.u8 v59  }
0x11d: {  	v1 =	vsel vm14, v2, v1;
	v2 =	vadd.f32 v5, v3;
	v3 =	vsel vm15, v58, v6  }
0x11e: {  	v61 =	vsel vm15, $0x8, v58;
	v60 =	vpop (erf);
	v1 =	vsub.f32 v1, v4;
	v3 =	vsel vm7, $0x9, v3  }
0x11f: {  	v2 =	vadd.f32 v2, v60;
	v3 =	vsel vm2, v61, v3  }
0x120: {  	v62 =	vpop (erf);
	v5 =	vsel vm2, $0x9, v61;
	v1 =	vmul.f32 $1.442695020e+00, v1;
	v3 =	vsel vm6, $0xA, v3  }
0x121: {  	v2 =	vadd.f32 v2, v62;
	v3 =	vsel vm1, v5, v3  }
0x122: {  	(erf) = vpow2.f32 v1;
	v1 =	vsel vm1, $0xA, v5;
	v3 =	vsel vm5, $0xB, v3  }
0x123: {  	(erf) = vrcp.f32 v2;
	v2 =	vsel vm0, v1, v3  }
0x124: {  	v1 =	vsel vm0, $0xB, v1;
	v2 =	vsel vm12, $0xC, v2  }
0x125: {  	v2 =	vsel vm13, v1, v2  }
0x126: {  	v1 =	vsel vm13, $0xC, v1;
	v2 =	vsel vm4, $0xD, v2  }
0x127: {  	v2 =	vsel vm11, v1, v2  }
0x128: {  	v1 =	vsel vm11, $0xD, v1;
	v2 =	vsel vm10, $0xE, v2  }
0x129: {  	v2 =	vsel vm9, v1, v2  }
0x12a: {  	v2 =	vsel vm3, $0xF, v2  }
0x12b: {  	v1 =	vsel vm9, $0xE, v1  }
0x12c: {  	s20 =	sadd.s32 $0x10, s20;
	v3 =	vsel vm14, $0xF, v1;
	v63 =	vpop (erf)  }
0x12d: {  	v1 =	vsel vm14, v1, v2;
	[tilespmem:s20+$0x0] =	vst v3;
	v2 =	vpop (erf)  }
0x12e: {  	[tilespmem:s19+$0x0] =	vst v1;
	v1 =	vmul.f32 v2, v63  }
0x12f: {  	[tilespmem:s17+$0x0] =	vst v2  }
0x130: {  	[tilespmem:s18+$0x0] =	vst v1  }
0x131: {  	[hbm4b:s4+s10] =	stream.strided.scatter [tilespmem:s12], [sflag:$0x1], $0x100, s11, s10, $0x38;
	[tilespmem:$0x1400] =	vst v63  }
0x132: {  	_ =	swait.ge [sflag:s9], $0x100  }
0x133: {  	[sflag:s9] =	ssyncset.done $0x0  }
0x134: {  	[sflag:s9] =	ssyncadd.s32 $0xFFFFFF00  }
0x135: {  	[hbm4b:s5+s10] =	stream.strided.scatter [tilespmem:s13], [sflag:$0x1], $0x100, s11, s10, $0x38;
	[tilespmem:$0x1400] =	vst v63  }
0x136: {  	_ =	swait.ge [sflag:s9], $0x100  }
0x137: {  	[sflag:s9] =	ssyncset.done $0x0  }
0x138: {  	[sflag:s9] =	ssyncadd.s32 $0xFFFFFF00  }
0x139: {  	[hbm4b:s6+s10] =	stream.strided.scatter [tilespmem:s14], [sflag:$0x1], $0x100, s11, s10, $0x38;
	[tilespmem:$0x1400] =	vst v63  }
0x13a: {  	s16 =	sadd.s32 $0x1, s16;
	_ =	swait.ge [sflag:s9], $0x100  }
0x13b: {  	p0 =	sne.s32 s16, s8;
	[sflag:s9] =	ssyncset.done $0x0  }
.Ltmp1:
0x13c: {  	[sflag:s9] =	ssyncadd.s32 $0xFFFFFF00;
	(pc) =	sbr.rel @p0 .LBB2_1-.Ltmp1, $4  }
0x13d: {  	[hbm4b:s7+s10] =	stream.strided.scatter [tilespmem:s15], [sflag:$0x1], $0x100, s11, s10, $0x38;
	[tilespmem:$0x1400] =	vst v63  }
0x13e: {  	_ =	swait.ge [sflag:s9], $0x100  }
0x13f: {  	[sflag:s9] =	ssyncset.done $0x0  }
0x140: {  	[sflag:s9] =	ssyncadd.s32 $0xFFFFFF00  }
0x141: {  	_ =	sfence.sel $0x180000  }
0x142: {  	[bflag:$0x0] =	sbarrier.arrive $0xFFFF  }
0x143: {  	p0 =	sne.s32 s0, $0x0;
	_ =	strace $0x90000047  }
0x144: {  	s0 =	sadd.s32 @!p0 $0x100000, s1;
	[bflag:$0x2] =	sbarrier.arrive $0xFFFF  }
0x145: {  	[sflag:s0] =	ssyncadd.tile.s32 @!p0 $0x1;
	_ =	shalt  }
.Lfunc_end2:
_tile_overlayer_lowered:
.L_overlay_start_2:
0x146: {  	(tag) =	ssettag $0x2  }
0x147: {  	s0 =	rddreg [dreg:$0x0];
	s2 =	stileid.u32  }
0x148: {  	s1 =	rddreg [dreg:$0x1];
	p0 =	sne.s32 s2, $0x0  }
0x149: {  	s3 =	rddreg [dreg:$0x2];
	[bflag:$0x3] =	sbarrier.arrive $0xFFFF;
	s2 =	simm.s32 @!p0 $0x1C01  }
0x14a: {  	[timem:s3], [sflag:s2] =	dma.local @!p0 [hbm:s0], s1  }
0x14b: {  	s0 =	simm.s32 @!p0 $0x1  }
0x14c: {  	_ =	swait.ge @!p0 [sflag:s0], s1  }
0x14d: {  	s1 =	ssub.s32 @!p0 $0x0, s1;
	[sflag:s0] =	ssyncset.done @!p0 $0x0  }
0x14e: {  	[sflag:s0] =	ssyncadd.s32 @!p0 s1  }
0x14f: {  	[bflag:$0x3] =	sbarrier.arrive $0xFFFF  }
0x150: {  	_ =	shalt  }

</sc_bundles>
